<compile_context>
chip_gen: v7x
topology: tpu7x:2x2x1
jax: 0.10.2.dev20260603
libtpu: 0.0.44.dev20260713+nightly
codegen_flags: <defaults>
</compile_context>

<pallas_src>
import functools

import jax
import jax.numpy as jnp
from jax import lax
from jax.experimental import pallas as pl
from jax.experimental.pallas import tpu as pltpu
from jax.experimental.pallas import tpu_sc as plsc

N = 10000
E = 320000
D_IN = 128
D_H = 128
D_OUT = 64

NP = 10240
NC = 2
NS = 16
NW = NC * NS
K = 128
NCHUNKS = E // K
RPT = NP // NS


def _make_agg(D, with_deg):
    mesh = plsc.VectorSubcoreMesh(core_axis_name="c", subcore_axis_name="s")
    out_type = [jax.ShapeDtypeStruct((NC, NP, D), jnp.float32)]
    if with_deg:
        out_type.append(jax.ShapeDtypeStruct((NC, NP), jnp.float32))

    scratch = [
        pltpu.VMEM((K,), jnp.int32),
        pltpu.VMEM((K,), jnp.int32),
        pltpu.VMEM((K, D), jnp.float32),
        pltpu.VMEM((K,), jnp.int32),
        pltpu.VMEM((K,), jnp.int32),
        pltpu.VMEM((K, D), jnp.float32),
        pltpu.VMEM((K,), jnp.float32),
        pltpu.VMEM_SHARED((NP, D), jnp.float32),
        pltpu.VMEM_SHARED((NP,), jnp.float32),
        pltpu.SemaphoreType.DMA,
        pltpu.SemaphoreType.DMA,
        pltpu.SemaphoreType.DMA,
        pltpu.SemaphoreType.DMA,
        pltpu.SemaphoreType.DMA,
        pltpu.SemaphoreType.DMA,
    ]

    @functools.partial(
        pl.kernel,
        out_type=tuple(out_type),
        mesh=mesh,
        scratch_types=scratch,
        compiler_params=pltpu.CompilerParams(use_tc_tiling_on_sc=False),
    )
    def agg(table, srcs, dsts, zrows, zvec, *rest):
        if with_deg:
            acc_out, deg_out = rest[0], rest[1]
            rest = rest[2:]
        else:
            acc_out = rest[0]
            rest = rest[1:]
        (src0, dst0, rows0, src1, dst1, rows1, ones_v, acc_sh, deg_sh,
         ssem0, dsem0, ssem1, dsem1, gsem0, gsem1) = rest

        cid = lax.axis_index("c")
        sid = lax.axis_index("s")
        w = sid * NC + cid

        lo = sid * RPT
        pltpu.sync_copy(zrows.at[pl.ds(lo, RPT)], acc_sh.at[pl.ds(lo, RPT)])
        if with_deg:
            pltpu.sync_copy(zvec.at[pl.ds(lo, RPT)], deg_sh.at[pl.ds(lo, RPT)])
            for j in range(K // 16):
                ones_v[pl.ds(j * 16, 16)] = jnp.ones((16,), jnp.float32)
        plsc.subcore_barrier()

        n_w = (NCHUNKS - 1 - w) // NW + 1

        def off(j):
            return (w + j * NW) * K

        def scat(rows_v, dst_v):
            pltpu.sync_copy(rows_v, acc_sh.at[dst_v], add=True)
            if with_deg:
                pltpu.sync_copy(ones_v, deg_sh.at[dst_v], add=True)

        pltpu.sync_copy(srcs.at[pl.ds(off(0), K)], src0)
        pltpu.sync_copy(dsts.at[pl.ds(off(0), K)], dst0)
        pltpu.async_copy(table.at[src0], rows0, gsem0)
        pltpu.async_copy(srcs.at[pl.ds(off(1), K)], src1, ssem1)
        pltpu.async_copy(dsts.at[pl.ds(off(1), K)], dst1, dsem1)

        n_pairs = (n_w + 1) // 2

        def body(g, carry):
            j1 = 2 * g + 1
            c2 = 2 * g + 2
            c3 = 2 * g + 3

            @pl.when(j1 < n_w)
            def _():
                pltpu.make_async_copy(srcs.at[pl.ds(0, K)], src1, ssem1).wait()
                pltpu.async_copy(table.at[src1], rows1, gsem1)

            pltpu.make_async_copy(table.at[src0], rows0, gsem0).wait()

            @pl.when(c2 < n_w)
            def _():
                pltpu.async_copy(srcs.at[pl.ds(off(c2), K)], src0, ssem0)

            @pl.when(g > 0)
            def _():
                pltpu.make_async_copy(dsts.at[pl.ds(0, K)], dst0, dsem0).wait()

            scat(rows0, dst0)

            @pl.when(c2 < n_w)
            def _():
                pltpu.async_copy(dsts.at[pl.ds(off(c2), K)], dst0, dsem0)

            @pl.when(j1 < n_w)
            def _():
                pltpu.make_async_copy(table.at[src1], rows1, gsem1).wait()

                @pl.when(c2 < n_w)
                def _():
                    pltpu.make_async_copy(srcs.at[pl.ds(0, K)], src0, ssem0).wait()
                    pltpu.async_copy(table.at[src0], rows0, gsem0)

                @pl.when(c3 < n_w)
                def _():
                    pltpu.async_copy(srcs.at[pl.ds(off(c3), K)], src1, ssem1)

                pltpu.make_async_copy(dsts.at[pl.ds(0, K)], dst1, dsem1).wait()
                scat(rows1, dst1)

                @pl.when(c3 < n_w)
                def _():
                    pltpu.async_copy(dsts.at[pl.ds(off(c3), K)], dst1, dsem1)

            return carry

        lax.fori_loop(0, n_pairs, body, 0)

        plsc.subcore_barrier()
        pltpu.sync_copy(acc_sh.at[pl.ds(lo, RPT)], acc_out.at[cid, pl.ds(lo, RPT)])
        if with_deg:
            pltpu.sync_copy(deg_sh.at[pl.ds(lo, RPT)], deg_out.at[cid, pl.ds(lo, RPT)])

    return agg


_agg128 = _make_agg(D_H, True)
_agg64 = _make_agg(D_OUT, False)

BR = 512


def _dense1_body(x_ref, sx_ref, deg_ref, ws1_ref, wn1_ref, b1_ref,
                 ws2_ref, wn2_ref, b2_ref, p_ref, q_ref):
    s = sx_ref[0] + sx_ref[1]
    d = deg_ref[0] + deg_ref[1]
    recip = 1.0 / jnp.maximum(d, 1.0)
    hn = s * recip[:, None]
    xb = x_ref[...]
    h1 = (jnp.dot(xb, ws1_ref[...], preferred_element_type=jnp.float32)
          + jnp.dot(hn, wn1_ref[...], preferred_element_type=jnp.float32)
          + b1_ref[...])
    g = jnp.maximum(h1, 0.0)
    p_ref[...] = jnp.dot(g, wn2_ref[...], preferred_element_type=jnp.float32)
    q_ref[...] = (jnp.dot(g, ws2_ref[...], preferred_element_type=jnp.float32)
                  + b2_ref[...])


def _dense1(xp, sx, deg, ws1, wn1, b1, ws2, wn2, b2):
    grid = (NP // BR,)
    return pl.pallas_call(
        _dense1_body,
        grid=grid,
        in_specs=[
            pl.BlockSpec((BR, D_IN), lambda i: (i, 0)),
            pl.BlockSpec((NC, BR, D_H), lambda i: (0, i, 0)),
            pl.BlockSpec((NC, BR), lambda i: (0, i)),
            pl.BlockSpec((D_IN, D_H), lambda i: (0, 0)),
            pl.BlockSpec((D_IN, D_H), lambda i: (0, 0)),
            pl.BlockSpec((1, D_H), lambda i: (0, 0)),
            pl.BlockSpec((D_H, D_OUT), lambda i: (0, 0)),
            pl.BlockSpec((D_H, D_OUT), lambda i: (0, 0)),
            pl.BlockSpec((1, D_OUT), lambda i: (0, 0)),
        ],
        out_specs=[
            pl.BlockSpec((BR, D_OUT), lambda i: (i, 0)),
            pl.BlockSpec((BR, D_OUT), lambda i: (i, 0)),
        ],
        out_shape=[
            jax.ShapeDtypeStruct((NP, D_OUT), jnp.float32),
            jax.ShapeDtypeStruct((NP, D_OUT), jnp.float32),
        ],
    )(xp, sx, deg, ws1, wn1, b1, ws2, wn2, b2)


def _dense2_body(q_ref, sp_ref, deg_ref, out_ref):
    s = sp_ref[0] + sp_ref[1]
    d = deg_ref[0] + deg_ref[1]
    recip = 1.0 / jnp.maximum(d, 1.0)
    out_ref[...] = q_ref[...] + s * recip[:, None]


def _dense2(q, sp, deg):
    grid = (NP // BR,)
    return pl.pallas_call(
        _dense2_body,
        grid=grid,
        in_specs=[
            pl.BlockSpec((BR, D_OUT), lambda i: (i, 0)),
            pl.BlockSpec((NC, BR, D_OUT), lambda i: (0, i, 0)),
            pl.BlockSpec((NC, BR), lambda i: (0, i)),
        ],
        out_specs=pl.BlockSpec((BR, D_OUT), lambda i: (i, 0)),
        out_shape=jax.ShapeDtypeStruct((NP, D_OUT), jnp.float32),
    )(q, sp, deg)


@jax.jit
def kernel(x, edge_index, W_self1, W_neigh1, b1, W_self2, W_neigh2, b2):
    src = edge_index[0]
    dst = edge_index[1]

    z128 = jnp.zeros((NP, D_H), jnp.float32)
    z64 = jnp.zeros((NP, D_OUT), jnp.float32)
    zv = jnp.zeros((NP,), jnp.float32)

    sx, deg = _agg128(x, src, dst, z128, zv)

    xp = jnp.pad(x, ((0, NP - N), (0, 0)))
    p, q = _dense1(xp, sx, deg,
                   W_self1, W_neigh1, b1.reshape(1, D_H),
                   W_self2, W_neigh2, b2.reshape(1, D_OUT))

    (sp,) = _agg64(p, src, dst, z64, zv)

    out = _dense2(q, sp, deg)
    return out[:N]

# --- scband reference (transcript-rebuilt; emitter-appended) ---
"""Pipeline reference for scband-graph-sage-43078521979013 (READ-ONLY COPY).

The authoritative reference and input builder live on the scoring server;
editing this copy changes nothing except your own understanding.
"""

import jax, jax.numpy as jnp
import numpy as np

N = 10000
E = 320000
D_IN = 128
D_H = 128
D_OUT = 64


def setup_inputs(seed: int = 0) -> dict:
    key = jax.random.key(seed)
    ks = jax.random.split(key, 9)
    x = jax.random.normal(ks[0], (N, D_IN), dtype=jnp.float32)
    edge_index = jax.random.randint(ks[1], (2, E), 0, N, dtype=jnp.int32)
    W_self1 = jax.random.normal(ks[2], (D_IN, D_H), dtype=jnp.float32) * (1.0 / np.sqrt(D_IN))
    W_neigh1 = jax.random.normal(ks[3], (D_IN, D_H), dtype=jnp.float32) * (1.0 / np.sqrt(D_IN))
    b1 = jnp.zeros((D_H,), dtype=jnp.float32)
    W_self2 = jax.random.normal(ks[4], (D_H, D_OUT), dtype=jnp.float32) * (1.0 / np.sqrt(D_H))
    W_neigh2 = jax.random.normal(ks[5], (D_H, D_OUT), dtype=jnp.float32) * (1.0 / np.sqrt(D_H))
    b2 = jnp.zeros((D_OUT,), dtype=jnp.float32)
    return {"x": x, "edge_index": edge_index, "W_self1": W_self1, "W_neigh1": W_neigh1, "b1": b1, "W_self2": W_self2, "W_neigh2": W_neigh2, "b2": b2}


def _sage_layer(h, src, dst, W_self, W_neigh, b):
    # DGL SAGEConv with aggregator_type='mean':
    #   h_neigh = mean over in-neighbors of h[src]
    #   out = h @ W_self + h_neigh @ W_neigh + b
    msgs = h[src]  # gather: [E, d]
    agg = jax.ops.segment_sum(msgs, dst, num_segments=N)  # scatter-add
    deg = jax.ops.segment_sum(jnp.ones((src.shape[0], 1), dtype=jnp.float32), dst, num_segments=N)
    h_neigh = agg / jnp.clip(deg, 1.0, None)
    return h @ W_self + h_neigh @ W_neigh + b


def reference(x, edge_index, W_self1, W_neigh1, b1, W_self2, W_neigh2, b2):
    # feat_drop=0.0 -> dropout is identity; activation=relu between layers only
    src = edge_index[0]
    dst = edge_index[1]
    h = _sage_layer(x, src, dst, W_self1, W_neigh1, b1)
    h = jax.nn.relu(h)
    h = _sage_layer(h, src, dst, W_self2, W_neigh2, b2)
    return h

if __name__ == "__main__":
    import jax
    _d = setup_inputs()
    print(jax.jit(kernel)(*tuple(_d.values())))

</pallas_src>

<mosaic_0001>
#map = affine_map<(d0, d1) -> (0, 0)>
#map1 = affine_map<(d0, d1) -> (0)>
#map2 = affine_map<(d0, d1) -> (0, 0, 0)>
module attributes {stable_mosaic.version = 14 : i64} {
  func.func @agg(%arg0: i32, %arg1: i32, %arg2: memref<10000x128xf32, #tpu.memory_space<hbm>>, %arg3: memref<320000xi32, #tpu.memory_space<hbm>>, %arg4: memref<320000xi32, #tpu.memory_space<hbm>>, %arg5: memref<10240x128xf32, #tpu.memory_space<hbm>>, %arg6: memref<10240xf32, #tpu.memory_space<hbm>>, %arg7: memref<2x10240x128xf32, #tpu.memory_space<hbm>>, %arg8: memref<2x10240xf32, #tpu.memory_space<hbm>>, %arg9: memref<128xi32, #tpu.memory_space<vmem>>, %arg10: memref<128xi32, #tpu.memory_space<vmem>>, %arg11: memref<128x128xf32, #tpu.memory_space<vmem>>, %arg12: memref<128xi32, #tpu.memory_space<vmem>>, %arg13: memref<128xi32, #tpu.memory_space<vmem>>, %arg14: memref<128x128xf32, #tpu.memory_space<vmem>>, %arg15: memref<128xf32, #tpu.memory_space<vmem>>, %arg16: memref<10240x128xf32, #tpu.memory_space<vmem_shared>>, %arg17: memref<10240xf32, #tpu.memory_space<vmem_shared>>, %arg18: memref<!tpu.dma_semaphore, #tpu.memory_space<semaphore_mem>>, %arg19: memref<!tpu.dma_semaphore, #tpu.memory_space<semaphore_mem>>, %arg20: memref<!tpu.dma_semaphore, #tpu.memory_space<semaphore_mem>>, %arg21: memref<!tpu.dma_semaphore, #tpu.memory_space<semaphore_mem>>, %arg22: memref<!tpu.dma_semaphore, #tpu.memory_space<semaphore_mem>>, %arg23: memref<!tpu.dma_semaphore, #tpu.memory_space<semaphore_mem>>) attributes {dimension_semantics = [#tpu.dimension_semantics<core_parallel>, #tpu.dimension_semantics<subcore_parallel>], iteration_bounds = array<i64: 2, 16>, scalar_prefetch = 0 : i64, scratch_operands = 15 : i64, tpu.core_type = #tpu.core_type<sc_vector_subcore>, window_params = [{transform_indices = #map}, {transform_indices = #map1}, {transform_indices = #map1}, {transform_indices = #map}, {transform_indices = #map1}, {transform_indices = #map2}, {transform_indices = #map}]} {
    %mul3A = arith.constant 2 : i32
    %mul3A_0 = arith.muli %arg1, %mul3A : i32
    %add3A = arith.addi %mul3A_0, %arg0 : i32
    %mul3A_1 = arith.constant 640 : i32
    %mul3A_2 = arith.muli %arg1, %mul3A_1 : i32
    "tpu.region"() ({
      %run_scoped3A = tpu.sem_alloc : memref<!tpu.dma_semaphore, #tpu.memory_space<semaphore_mem>>
      %dma_start3A_127 = arith.constant 0 : i32
      %dma_start3A_128 = tpu.memref_slice %arg16[%mul3A_2, %dma_start3A_127] : memref<10240x128xf32, #tpu.memory_space<vmem_shared>> -> memref<640x128xf32, #tpu.memory_space<vmem_shared>>
      %dma_start3A_129 = arith.constant 0 : i32
      %dma_start3A_130 = tpu.memref_slice %arg5[%mul3A_2, %dma_start3A_129] : memref<10240x128xf32, #tpu.memory_space<hbm>> -> memref<640x128xf32, #tpu.memory_space<hbm>>
      tpu.enqueue_dma source(%dma_start3A_130 : memref<640x128xf32, #tpu.memory_space<hbm>>) target(%dma_start3A_128 : memref<640x128xf32, #tpu.memory_space<vmem_shared>>) target_semaphore(%run_scoped3A : memref<!tpu.dma_semaphore, #tpu.memory_space<semaphore_mem>>)
      %dma_wait3A = arith.constant 0 : i32
      %dma_wait3A_131 = tpu.memref_slice %arg16[%mul3A_2, %dma_wait3A] : memref<10240x128xf32, #tpu.memory_space<vmem_shared>> -> memref<640x128xf32, #tpu.memory_space<vmem_shared>>
      %dma_wait3A_132 = arith.constant 0 : i32
      %dma_wait3A_133 = tpu.memref_slice %arg5[%mul3A_2, %dma_wait3A_132] : memref<10240x128xf32, #tpu.memory_space<hbm>> -> memref<640x128xf32, #tpu.memory_space<hbm>>
      tpu.wait_dma2 semaphore(%run_scoped3A : memref<!tpu.dma_semaphore, #tpu.memory_space<semaphore_mem>>) src(%dma_wait3A_133 : memref<640x128xf32, #tpu.memory_space<hbm>>) dst(%dma_wait3A_131 : memref<640x128xf32, #tpu.memory_space<vmem_shared>>)
      tpu.yield
    }) : () -> ()
    "tpu.region"() ({
      %run_scoped3A = tpu.sem_alloc : memref<!tpu.dma_semaphore, #tpu.memory_space<semaphore_mem>>
      %dma_start3A_127 = tpu.memref_slice %arg17[%mul3A_2] : memref<10240xf32, #tpu.memory_space<vmem_shared>> -> memref<640xf32, #tpu.memory_space<vmem_shared>>
      %dma_start3A_128 = tpu.memref_slice %arg6[%mul3A_2] : memref<10240xf32, #tpu.memory_space<hbm>> -> memref<640xf32, #tpu.memory_space<hbm>>
      tpu.enqueue_dma source(%dma_start3A_128 : memref<640xf32, #tpu.memory_space<hbm>>) target(%dma_start3A_127 : memref<640xf32, #tpu.memory_space<vmem_shared>>) target_semaphore(%run_scoped3A : memref<!tpu.dma_semaphore, #tpu.memory_space<semaphore_mem>>)
      %dma_wait3A = tpu.memref_slice %arg17[%mul3A_2] : memref<10240xf32, #tpu.memory_space<vmem_shared>> -> memref<640xf32, #tpu.memory_space<vmem_shared>>
      %dma_wait3A_129 = tpu.memref_slice %arg6[%mul3A_2] : memref<10240xf32, #tpu.memory_space<hbm>> -> memref<640xf32, #tpu.memory_space<hbm>>
      tpu.wait_dma2 semaphore(%run_scoped3A : memref<!tpu.dma_semaphore, #tpu.memory_space<semaphore_mem>>) src(%dma_wait3A_129 : memref<640xf32, #tpu.memory_space<hbm>>) dst(%dma_wait3A : memref<640xf32, #tpu.memory_space<vmem_shared>>)
      tpu.yield
    }) : () -> ()
    %broadcast_in_dim3A = arith.constant 1.000000e+00 : f32
    %broadcast_in_dim3A_3 = vector.broadcast %broadcast_in_dim3A : f32 to vector<16xf32>
    %swap3A = arith.constant 0 : index
    %swap3A_4 = tpu.vector_load %arg15[%swap3A] {strides = array<i32>} : memref<128xf32, #tpu.memory_space<vmem>>, vector<16xf32>,
    %swap3A_5 = vector.shape_cast %swap3A_4 : vector<16xf32> to vector<16xf32>
    %swap3A_6 = vector.shape_cast %broadcast_in_dim3A_3 : vector<16xf32> to vector<16xf32>
    tpu.vector_store %arg15[%swap3A], %swap3A_6 {strides = array<i32>} : memref<128xf32, #tpu.memory_space<vmem>>, vector<16xf32>,
    %broadcast_in_dim3A_7 = arith.constant 1.000000e+00 : f32
    %broadcast_in_dim3A_8 = vector.broadcast %broadcast_in_dim3A_7 : f32 to vector<16xf32>
    %swap3A_9 = arith.constant 16 : index
    %swap3A_10 = tpu.vector_load %arg15[%swap3A_9] {strides = array<i32>} : memref<128xf32, #tpu.memory_space<vmem>>, vector<16xf32>,
    %swap3A_11 = vector.shape_cast %swap3A_10 : vector<16xf32> to vector<16xf32>
    %swap3A_12 = vector.shape_cast %broadcast_in_dim3A_8 : vector<16xf32> to vector<16xf32>
    tpu.vector_store %arg15[%swap3A_9], %swap3A_12 {strides = array<i32>} : memref<128xf32, #tpu.memory_space<vmem>>, vector<16xf32>,
    %broadcast_in_dim3A_13 = arith.constant 1.000000e+00 : f32
    %broadcast_in_dim3A_14 = vector.broadcast %broadcast_in_dim3A_13 : f32 to vector<16xf32>
    %swap3A_15 = arith.constant 32 : index
    %swap3A_16 = tpu.vector_load %arg15[%swap3A_15] {strides = array<i32>} : memref<128xf32, #tpu.memory_space<vmem>>, vector<16xf32>,
    %swap3A_17 = vector.shape_cast %swap3A_16 : vector<16xf32> to vector<16xf32>
    %swap3A_18 = vector.shape_cast %broadcast_in_dim3A_14 : vector<16xf32> to vector<16xf32>
    tpu.vector_store %arg15[%swap3A_15], %swap3A_18 {strides = array<i32>} : memref<128xf32, #tpu.memory_space<vmem>>, vector<16xf32>,
    %broadcast_in_dim3A_19 = arith.constant 1.000000e+00 : f32
    %broadcast_in_dim3A_20 = vector.broadcast %broadcast_in_dim3A_19 : f32 to vector<16xf32>
    %swap3A_21 = arith.constant 48 : index
    %swap3A_22 = tpu.vector_load %arg15[%swap3A_21] {strides = array<i32>} : memref<128xf32, #tpu.memory_space<vmem>>, vector<16xf32>,
    %swap3A_23 = vector.shape_cast %swap3A_22 : vector<16xf32> to vector<16xf32>
    %swap3A_24 = vector.shape_cast %broadcast_in_dim3A_20 : vector<16xf32> to vector<16xf32>
    tpu.vector_store %arg15[%swap3A_21], %swap3A_24 {strides = array<i32>} : memref<128xf32, #tpu.memory_space<vmem>>, vector<16xf32>,
    %broadcast_in_dim3A_25 = arith.constant 1.000000e+00 : f32
    %broadcast_in_dim3A_26 = vector.broadcast %broadcast_in_dim3A_25 : f32 to vector<16xf32>
    %swap3A_27 = arith.constant 64 : index
    %swap3A_28 = tpu.vector_load %arg15[%swap3A_27] {strides = array<i32>} : memref<128xf32, #tpu.memory_space<vmem>>, vector<16xf32>,
    %swap3A_29 = vector.shape_cast %swap3A_28 : vector<16xf32> to vector<16xf32>
    %swap3A_30 = vector.shape_cast %broadcast_in_dim3A_26 : vector<16xf32> to vector<16xf32>
    tpu.vector_store %arg15[%swap3A_27], %swap3A_30 {strides = array<i32>} : memref<128xf32, #tpu.memory_space<vmem>>, vector<16xf32>,
    %broadcast_in_dim3A_31 = arith.constant 1.000000e+00 : f32
    %broadcast_in_dim3A_32 = vector.broadcast %broadcast_in_dim3A_31 : f32 to vector<16xf32>
    %swap3A_33 = arith.constant 80 : index
    %swap3A_34 = tpu.vector_load %arg15[%swap3A_33] {strides = array<i32>} : memref<128xf32, #tpu.memory_space<vmem>>, vector<16xf32>,
    %swap3A_35 = vector.shape_cast %swap3A_34 : vector<16xf32> to vector<16xf32>
    %swap3A_36 = vector.shape_cast %broadcast_in_dim3A_32 : vector<16xf32> to vector<16xf32>
    tpu.vector_store %arg15[%swap3A_33], %swap3A_36 {strides = array<i32>} : memref<128xf32, #tpu.memory_space<vmem>>, vector<16xf32>,
    %broadcast_in_dim3A_37 = arith.constant 1.000000e+00 : f32
    %broadcast_in_dim3A_38 = vector.broadcast %broadcast_in_dim3A_37 : f32 to vector<16xf32>
    %swap3A_39 = arith.constant 96 : index
    %swap3A_40 = tpu.vector_load %arg15[%swap3A_39] {strides = array<i32>} : memref<128xf32, #tpu.memory_space<vmem>>, vector<16xf32>,
    %swap3A_41 = vector.shape_cast %swap3A_40 : vector<16xf32> to vector<16xf32>
    %swap3A_42 = vector.shape_cast %broadcast_in_dim3A_38 : vector<16xf32> to vector<16xf32>
    tpu.vector_store %arg15[%swap3A_39], %swap3A_42 {strides = array<i32>} : memref<128xf32, #tpu.memory_space<vmem>>, vector<16xf32>,
    %broadcast_in_dim3A_43 = arith.constant 1.000000e+00 : f32
    %broadcast_in_dim3A_44 = vector.broadcast %broadcast_in_dim3A_43 : f32 to vector<16xf32>
    %swap3A_45 = arith.constant 112 : index
    %swap3A_46 = tpu.vector_load %arg15[%swap3A_45] {strides = array<i32>} : memref<128xf32, #tpu.memory_space<vmem>>, vector<16xf32>,
    %swap3A_47 = vector.shape_cast %swap3A_46 : vector<16xf32> to vector<16xf32>
    %swap3A_48 = vector.shape_cast %broadcast_in_dim3A_44 : vector<16xf32> to vector<16xf32>
    tpu.vector_store %arg15[%swap3A_45], %swap3A_48 {strides = array<i32>} : memref<128xf32, #tpu.memory_space<vmem>>, vector<16xf32>,
    %barrier3A = arith.constant 0 : index
    tpu.barrier barrier_id(%barrier3A)
    %sub3A = arith.constant 2499 : i32
    %sub3A_49 = arith.subi %sub3A, %add3A : i32
    %jit3A = arith.constant 32 : i32
    %div3A = arith.divsi %sub3A_49, %jit3A : i32
    %sign3A = arith.constant 0 : i32
    %sign3A_50 = arith.cmpi sgt, %sub3A_49, %sign3A : i32
    %sign3A_51 = arith.extui %sign3A_50 : i1 to i32
    %sign3A_52 = arith.constant 0 : i32
    %sign3A_53 = arith.cmpi slt, %sub3A_49, %sign3A_52 : i32
    %sign3A_54 = arith.extui %sign3A_53 : i1 to i32
    %sign3A_55 = arith.subi %sign3A_51, %sign3A_54 : i32
    %sign3A_56 = arith.constant 0 : i32
    %sign3A_57 = arith.cmpi sgt, %jit3A, %sign3A_56 : i32
    %sign3A_58 = arith.extui %sign3A_57 : i1 to i32
    %sign3A_59 = arith.constant 0 : i32
    %sign3A_60 = arith.cmpi slt, %jit3A, %sign3A_59 : i32
    %sign3A_61 = arith.extui %sign3A_60 : i1 to i32
    %sign3A_62 = arith.subi %sign3A_58, %sign3A_61 : i32
    %ne3A = arith.cmpi ne, %sign3A_55, %sign3A_62 : i32
    %rem3A = arith.remsi %sub3A_49, %jit3A : i32
    %ne3A_63 = arith.constant 0 : i32
    %ne3A_64 = arith.cmpi ne, %rem3A, %ne3A_63 : i32
    %and3A = arith.andi %ne3A, %ne3A_64 : i1
    %sub3A_65 = arith.constant 1 : i32
    %sub3A_66 = arith.subi %div3A, %sub3A_65 : i32
    %select_n3A = arith.select %and3A, %sub3A_66, %div3A : i32
    %add3A_67 = arith.constant 1 : i32
    %add3A_68 = arith.addi %select_n3A, %add3A_67 : i32
    %add3A_69 = arith.constant 0 : i32
    %add3A_70 = arith.addi %add3A, %add3A_69 : i32
    %mul3A_71 = arith.constant 128 : i32
    %mul3A_72 = arith.muli %add3A_70, %mul3A_71 : i32
    "tpu.region"() ({
      %run_scoped3A = tpu.sem_alloc : memref<!tpu.dma_semaphore, #tpu.memory_space<semaphore_mem>>
      %dma_start3A_127 = tpu.memref_slice %arg3[%mul3A_72] : memref<320000xi32, #tpu.memory_space<hbm>> -> memref<128xi32, #tpu.memory_space<hbm>>
      %dma_start3A_128 = tpu.memref_slice %arg3[%mul3A_72] : memref<320000xi32, #tpu.memory_space<hbm>> -> memref<128xi32, #tpu.memory_space<hbm>>
      tpu.enqueue_dma source(%dma_start3A_128 : memref<128xi32, #tpu.memory_space<hbm>>) target(%arg9 : memref<128xi32, #tpu.memory_space<vmem>>) target_semaphore(%run_scoped3A : memref<!tpu.dma_semaphore, #tpu.memory_space<semaphore_mem>>)
      %dma_wait3A = tpu.memref_slice %arg3[%mul3A_72] : memref<320000xi32, #tpu.memory_space<hbm>> -> memref<128xi32, #tpu.memory_space<hbm>>
      %dma_wait3A_129 = tpu.memref_slice %arg3[%mul3A_72] : memref<320000xi32, #tpu.memory_space<hbm>> -> memref<128xi32, #tpu.memory_space<hbm>>
      tpu.wait_dma2 semaphore(%run_scoped3A : memref<!tpu.dma_semaphore, #tpu.memory_space<semaphore_mem>>) src(%dma_wait3A_129 : memref<128xi32, #tpu.memory_space<hbm>>) dst(%arg9 : memref<128xi32, #tpu.memory_space<vmem>>)
      tpu.yield
    }) : () -> ()
    %add3A_73 = arith.constant 0 : i32
    %add3A_74 = arith.addi %add3A, %add3A_73 : i32
    %mul3A_75 = arith.constant 128 : i32
    %mul3A_76 = arith.muli %add3A_74, %mul3A_75 : i32
    "tpu.region"() ({
      %run_scoped3A = tpu.sem_alloc : memref<!tpu.dma_semaphore, #tpu.memory_space<semaphore_mem>>
      %dma_start3A_127 = tpu.memref_slice %arg4[%mul3A_76] : memref<320000xi32, #tpu.memory_space<hbm>> -> memref<128xi32, #tpu.memory_space<hbm>>
      %dma_start3A_128 = tpu.memref_slice %arg4[%mul3A_76] : memref<320000xi32, #tpu.memory_space<hbm>> -> memref<128xi32, #tpu.memory_space<hbm>>
      tpu.enqueue_dma source(%dma_start3A_128 : memref<128xi32, #tpu.memory_space<hbm>>) target(%arg10 : memref<128xi32, #tpu.memory_space<vmem>>) target_semaphore(%run_scoped3A : memref<!tpu.dma_semaphore, #tpu.memory_space<semaphore_mem>>)
      %dma_wait3A = tpu.memref_slice %arg4[%mul3A_76] : memref<320000xi32, #tpu.memory_space<hbm>> -> memref<128xi32, #tpu.memory_space<hbm>>
      %dma_wait3A_129 = tpu.memref_slice %arg4[%mul3A_76] : memref<320000xi32, #tpu.memory_space<hbm>> -> memref<128xi32, #tpu.memory_space<hbm>>
      tpu.wait_dma2 semaphore(%run_scoped3A : memref<!tpu.dma_semaphore, #tpu.memory_space<semaphore_mem>>) src(%dma_wait3A_129 : memref<128xi32, #tpu.memory_space<hbm>>) dst(%arg10 : memref<128xi32, #tpu.memory_space<vmem>>)
      tpu.yield
    }) : () -> ()
    %dma_start3A = arith.constant 0 : i32
    %dma_start3A_77 = arith.constant 0 : i32
    %dma_start3A_78 = tpu.memref_slice %arg2[%dma_start3A, %dma_start3A_77] : memref<10000x128xf32, #tpu.memory_space<hbm>> -> memref<10000x128xf32, #tpu.memory_space<hbm>>
    tpu.enqueue_indirect_dma source(%dma_start3A_78 : memref<10000x128xf32, #tpu.memory_space<hbm>>) target(%arg11 : memref<128x128xf32, #tpu.memory_space<vmem>>) offsets(%arg9 : memref<128xi32, #tpu.memory_space<vmem>>) semaphore(%arg22 : memref<!tpu.dma_semaphore, #tpu.memory_space<semaphore_mem>>)
    %add3A_79 = arith.constant 32 : i32
    %add3A_80 = arith.addi %add3A, %add3A_79 : i32
    %mul3A_81 = arith.constant 128 : i32
    %mul3A_82 = arith.muli %add3A_80, %mul3A_81 : i32
    %dma_start3A_83 = tpu.memref_slice %arg3[%mul3A_82] : memref<320000xi32, #tpu.memory_space<hbm>> -> memref<128xi32, #tpu.memory_space<hbm>>
    %dma_start3A_84 = tpu.memref_slice %arg3[%mul3A_82] : memref<320000xi32, #tpu.memory_space<hbm>> -> memref<128xi32, #tpu.memory_space<hbm>>
    tpu.enqueue_dma source(%dma_start3A_84 : memref<128xi32, #tpu.memory_space<hbm>>) target(%arg12 : memref<128xi32, #tpu.memory_space<vmem>>) target_semaphore(%arg20 : memref<!tpu.dma_semaphore, #tpu.memory_space<semaphore_mem>>)
    %add3A_85 = arith.constant 32 : i32
    %add3A_86 = arith.addi %add3A, %add3A_85 : i32
    %mul3A_87 = arith.constant 128 : i32
    %mul3A_88 = arith.muli %add3A_86, %mul3A_87 : i32
    %dma_start3A_89 = tpu.memref_slice %arg4[%mul3A_88] : memref<320000xi32, #tpu.memory_space<hbm>> -> memref<128xi32, #tpu.memory_space<hbm>>
    %dma_start3A_90 = tpu.memref_slice %arg4[%mul3A_88] : memref<320000xi32, #tpu.memory_space<hbm>> -> memref<128xi32, #tpu.memory_space<hbm>>
    tpu.enqueue_dma source(%dma_start3A_90 : memref<128xi32, #tpu.memory_space<hbm>>) target(%arg13 : memref<128xi32, #tpu.memory_space<vmem>>) target_semaphore(%arg21 : memref<!tpu.dma_semaphore, #tpu.memory_space<semaphore_mem>>)
    %add3A_91 = arith.constant 1 : i32
    %add3A_92 = arith.addi %add3A_68, %add3A_91 : i32
    %jit3A_93 = arith.constant 2 : i32
    %div3A_94 = arith.divsi %add3A_92, %jit3A_93 : i32
    %sign3A_95 = arith.constant 0 : i32
    %sign3A_96 = arith.cmpi sgt, %add3A_92, %sign3A_95 : i32
    %sign3A_97 = arith.extui %sign3A_96 : i1 to i32
    %sign3A_98 = arith.constant 0 : i32
    %sign3A_99 = arith.cmpi slt, %add3A_92, %sign3A_98 : i32
    %sign3A_100 = arith.extui %sign3A_99 : i1 to i32
    %sign3A_101 = arith.subi %sign3A_97, %sign3A_100 : i32
    %sign3A_102 = arith.constant 0 : i32
    %sign3A_103 = arith.cmpi sgt, %jit3A_93, %sign3A_102 : i32
    %sign3A_104 = arith.extui %sign3A_103 : i1 to i32
    %sign3A_105 = arith.constant 0 : i32
    %sign3A_106 = arith.cmpi slt, %jit3A_93, %sign3A_105 : i32
    %sign3A_107 = arith.extui %sign3A_106 : i1 to i32
    %sign3A_108 = arith.subi %sign3A_104, %sign3A_107 : i32
    %ne3A_109 = arith.cmpi ne, %sign3A_101, %sign3A_108 : i32
    %rem3A_110 = arith.remsi %add3A_92, %jit3A_93 : i32
    %ne3A_111 = arith.constant 0 : i32
    %ne3A_112 = arith.cmpi ne, %rem3A_110, %ne3A_111 : i32
    %and3A_113 = arith.andi %ne3A_109, %ne3A_112 : i1
    %sub3A_114 = arith.constant 1 : i32
    %sub3A_115 = arith.subi %div3A_94, %sub3A_114 : i32
    %select_n3A_116 = arith.select %and3A_113, %sub3A_115, %div3A_94 : i32
    %while3A = arith.constant 0 : i32
    %while3A_117 = arith.constant 0 : i32
    %while3A_118 = arith.subi %select_n3A_116, %while3A_117 : i32
    %while3A_119 = arith.addi %while3A_117, %while3A_118 : i32
    %while3A_120 = arith.constant 1 : i32
    %while3A_121 = arith.divsi %while3A_118, %while3A_120 : i32
    %while3A_122 = arith.muli %while3A_121, %while3A_120 : i32
    %while3A_123 = arith.addi %while3A_117, %while3A_122 : i32
    %while3A_124 = arith.constant 1 : i32
    scf.for %while3A_127 = %while3A_117 to %while3A_123 step %while3A_124  : i32 {
      %mul3A_128 = arith.constant 2 : i32
      %mul3A_129 = arith.muli %mul3A_128, %while3A_127 : i32
      %add3A_130 = arith.constant 1 : i32
      %add3A_131 = arith.addi %mul3A_129, %add3A_130 : i32
      %mul3A_132 = arith.constant 2 : i32
      %mul3A_133 = arith.muli %mul3A_132, %while3A_127 : i32
      %add3A_134 = arith.constant 2 : i32
      %add3A_135 = arith.addi %mul3A_133, %add3A_134 : i32
      %mul3A_136 = arith.constant 2 : i32
      %mul3A_137 = arith.muli %mul3A_136, %while3A_127 : i32
      %add3A_138 = arith.constant 3 : i32
      %add3A_139 = arith.addi %mul3A_137, %add3A_138 : i32
      %lt3A = arith.cmpi slt, %add3A_131, %add3A_68 : i32
      %convert_element_type3A = arith.extui %lt3A : i1 to i32
      %cond3A = arith.constant 0 : i32
      %cond3A_140 = arith.cmpi ne, %convert_element_type3A, %cond3A : i32
      scf.if %cond3A_140 {
        %dma_wait3A_159 = arith.constant 0 : i32
        %dma_wait3A_160 = tpu.memref_slice %arg3[%dma_wait3A_159] : memref<320000xi32, #tpu.memory_space<hbm>> -> memref<128xi32, #tpu.memory_space<hbm>>
        %dma_wait3A_161 = arith.constant 0 : i32
        %dma_wait3A_162 = tpu.memref_slice %arg3[%dma_wait3A_161] : memref<320000xi32, #tpu.memory_space<hbm>> -> memref<128xi32, #tpu.memory_space<hbm>>
        tpu.wait_dma2 semaphore(%arg20 : memref<!tpu.dma_semaphore, #tpu.memory_space<semaphore_mem>>) src(%dma_wait3A_162 : memref<128xi32, #tpu.memory_space<hbm>>) dst(%arg12 : memref<128xi32, #tpu.memory_space<vmem>>)
        %dma_start3A_163 = arith.constant 0 : i32
        %dma_start3A_164 = arith.constant 0 : i32
        %dma_start3A_165 = tpu.memref_slice %arg2[%dma_start3A_163, %dma_start3A_164] : memref<10000x128xf32, #tpu.memory_space<hbm>> -> memref<10000x128xf32, #tpu.memory_space<hbm>>
        tpu.enqueue_indirect_dma source(%dma_start3A_165 : memref<10000x128xf32, #tpu.memory_space<hbm>>) target(%arg14 : memref<128x128xf32, #tpu.memory_space<vmem>>) offsets(%arg12 : memref<128xi32, #tpu.memory_space<vmem>>) semaphore(%arg23 : memref<!tpu.dma_semaphore, #tpu.memory_space<semaphore_mem>>)
      } else {
      }
      %dma_wait3A = arith.constant 0 : i32
      %dma_wait3A_141 = arith.constant 0 : i32
      %dma_wait3A_142 = tpu.memref_slice %arg2[%dma_wait3A, %dma_wait3A_141] : memref<10000x128xf32, #tpu.memory_space<hbm>> -> memref<10000x128xf32, #tpu.memory_space<hbm>>
      tpu.wait_indirect_dma semaphore(%arg22 : memref<!tpu.dma_semaphore, #tpu.memory_space<semaphore_mem>>) src(%dma_wait3A_142 : memref<10000x128xf32, #tpu.memory_space<hbm>>) dst(%arg11 : memref<128x128xf32, #tpu.memory_space<vmem>>)
      %lt3A_143 = arith.cmpi slt, %add3A_135, %add3A_68 : i32
      %convert_element_type3A_144 = arith.extui %lt3A_143 : i1 to i32
      %cond3A_145 = arith.constant 0 : i32
      %cond3A_146 = arith.cmpi ne, %convert_element_type3A_144, %cond3A_145 : i32
      scf.if %cond3A_146 {
        %mul3A_159 = arith.constant 32 : i32
        %mul3A_160 = arith.muli %add3A_135, %mul3A_159 : i32
        %add3A_161 = arith.addi %add3A, %mul3A_160 : i32
        %mul3A_162 = arith.constant 128 : i32
        %mul3A_163 = arith.muli %add3A_161, %mul3A_162 : i32
        %dma_start3A_164 = tpu.memref_slice %arg3[%mul3A_163] : memref<320000xi32, #tpu.memory_space<hbm>> -> memref<128xi32, #tpu.memory_space<hbm>>
        %dma_start3A_165 = tpu.memref_slice %arg3[%mul3A_163] : memref<320000xi32, #tpu.memory_space<hbm>> -> memref<128xi32, #tpu.memory_space<hbm>>
        tpu.enqueue_dma source(%dma_start3A_165 : memref<128xi32, #tpu.memory_space<hbm>>) target(%arg9 : memref<128xi32, #tpu.memory_space<vmem>>) target_semaphore(%arg18 : memref<!tpu.dma_semaphore, #tpu.memory_space<semaphore_mem>>)
      } else {
      }
      %gt3A = arith.constant 0 : i32
      %gt3A_147 = arith.cmpi sgt, %while3A_127, %gt3A : i32
      %convert_element_type3A_148 = arith.extui %gt3A_147 : i1 to i32
      %cond3A_149 = arith.constant 0 : i32
      %cond3A_150 = arith.cmpi ne, %convert_element_type3A_148, %cond3A_149 : i32
      scf.if %cond3A_150 {
        %dma_wait3A_159 = arith.constant 0 : i32
        %dma_wait3A_160 = tpu.memref_slice %arg4[%dma_wait3A_159] : memref<320000xi32, #tpu.memory_space<hbm>> -> memref<128xi32, #tpu.memory_space<hbm>>
        %dma_wait3A_161 = arith.constant 0 : i32
        %dma_wait3A_162 = tpu.memref_slice %arg4[%dma_wait3A_161] : memref<320000xi32, #tpu.memory_space<hbm>> -> memref<128xi32, #tpu.memory_space<hbm>>
        tpu.wait_dma2 semaphore(%arg19 : memref<!tpu.dma_semaphore, #tpu.memory_space<semaphore_mem>>) src(%dma_wait3A_162 : memref<128xi32, #tpu.memory_space<hbm>>) dst(%arg10 : memref<128xi32, #tpu.memory_space<vmem>>)
      } else {
      }
      "tpu.region"() ({
        %run_scoped3A = tpu.sem_alloc : memref<!tpu.dma_semaphore, #tpu.memory_space<semaphore_mem>>
        %dma_start3A_159 = arith.constant 0 : i32
        %dma_start3A_160 = arith.constant 0 : i32
        %dma_start3A_161 = tpu.memref_slice %arg16[%dma_start3A_159, %dma_start3A_160] : memref<10240x128xf32, #tpu.memory_space<vmem_shared>> -> memref<10240x128xf32, #tpu.memory_space<vmem_shared>>
        tpu.enqueue_indirect_dma source(%arg11 : memref<128x128xf32, #tpu.memory_space<vmem>>) target(%dma_start3A_161 : memref<10240x128xf32, #tpu.memory_space<vmem_shared>>) offsets(%arg10 : memref<128xi32, #tpu.memory_space<vmem>>) semaphore(%run_scoped3A : memref<!tpu.dma_semaphore, #tpu.memory_space<semaphore_mem>>) {add = true}
        %dma_wait3A_162 = arith.constant 0 : i32
        %dma_wait3A_163 = arith.constant 0 : i32
        %dma_wait3A_164 = tpu.memref_slice %arg16[%dma_wait3A_162, %dma_wait3A_163] : memref<10240x128xf32, #tpu.memory_space<vmem_shared>> -> memref<10240x128xf32, #tpu.memory_space<vmem_shared>>
        tpu.wait_indirect_dma semaphore(%run_scoped3A : memref<!tpu.dma_semaphore, #tpu.memory_space<semaphore_mem>>) src(%arg11 : memref<128x128xf32, #tpu.memory_space<vmem>>) dst(%dma_wait3A_164 : memref<10240x128xf32, #tpu.memory_space<vmem_shared>>)
        tpu.yield
      }) : () -> ()
      "tpu.region"() ({
        %run_scoped3A = tpu.sem_alloc : memref<!tpu.dma_semaphore, #tpu.memory_space<semaphore_mem>>
        %dma_start3A_159 = arith.constant 0 : i32
        %dma_start3A_160 = tpu.memref_slice %arg17[%dma_start3A_159] : memref<10240xf32, #tpu.memory_space<vmem_shared>> -> memref<10240xf32, #tpu.memory_space<vmem_shared>>
        tpu.enqueue_indirect_dma source(%arg15 : memref<128xf32, #tpu.memory_space<vmem>>) target(%dma_start3A_160 : memref<10240xf32, #tpu.memory_space<vmem_shared>>) offsets(%arg10 : memref<128xi32, #tpu.memory_space<vmem>>) semaphore(%run_scoped3A : memref<!tpu.dma_semaphore, #tpu.memory_space<semaphore_mem>>) {add = true}
        %dma_wait3A_161 = arith.constant 0 : i32
        %dma_wait3A_162 = tpu.memref_slice %arg17[%dma_wait3A_161] : memref<10240xf32, #tpu.memory_space<vmem_shared>> -> memref<10240xf32, #tpu.memory_space<vmem_shared>>
        tpu.wait_indirect_dma semaphore(%run_scoped3A : memref<!tpu.dma_semaphore, #tpu.memory_space<semaphore_mem>>) src(%arg15 : memref<128xf32, #tpu.memory_space<vmem>>) dst(%dma_wait3A_162 : memref<10240xf32, #tpu.memory_space<vmem_shared>>)
        tpu.yield
      }) : () -> ()
      %lt3A_151 = arith.cmpi slt, %add3A_135, %add3A_68 : i32
      %convert_element_type3A_152 = arith.extui %lt3A_151 : i1 to i32
      %cond3A_153 = arith.constant 0 : i32
      %cond3A_154 = arith.cmpi ne, %convert_element_type3A_152, %cond3A_153 : i32
      scf.if %cond3A_154 {
        %mul3A_159 = arith.constant 32 : i32
        %mul3A_160 = arith.muli %add3A_135, %mul3A_159 : i32
        %add3A_161 = arith.addi %add3A, %mul3A_160 : i32
        %mul3A_162 = arith.constant 128 : i32
        %mul3A_163 = arith.muli %add3A_161, %mul3A_162 : i32
        %dma_start3A_164 = tpu.memref_slice %arg4[%mul3A_163] : memref<320000xi32, #tpu.memory_space<hbm>> -> memref<128xi32, #tpu.memory_space<hbm>>
        %dma_start3A_165 = tpu.memref_slice %arg4[%mul3A_163] : memref<320000xi32, #tpu.memory_space<hbm>> -> memref<128xi32, #tpu.memory_space<hbm>>
        tpu.enqueue_dma source(%dma_start3A_165 : memref<128xi32, #tpu.memory_space<hbm>>) target(%arg10 : memref<128xi32, #tpu.memory_space<vmem>>) target_semaphore(%arg19 : memref<!tpu.dma_semaphore, #tpu.memory_space<semaphore_mem>>)
      } else {
      }
      %lt3A_155 = arith.cmpi slt, %add3A_131, %add3A_68 : i32
      %convert_element_type3A_156 = arith.extui %lt3A_155 : i1 to i32
      %cond3A_157 = arith.constant 0 : i32
      %cond3A_158 = arith.cmpi ne, %convert_element_type3A_156, %cond3A_157 : i32
      scf.if %cond3A_158 {
        %dma_wait3A_159 = arith.constant 0 : i32
        %dma_wait3A_160 = arith.constant 0 : i32
        %dma_wait3A_161 = tpu.memref_slice %arg2[%dma_wait3A_159, %dma_wait3A_160] : memref<10000x128xf32, #tpu.memory_space<hbm>> -> memref<10000x128xf32, #tpu.memory_space<hbm>>
        tpu.wait_indirect_dma semaphore(%arg23 : memref<!tpu.dma_semaphore, #tpu.memory_space<semaphore_mem>>) src(%dma_wait3A_161 : memref<10000x128xf32, #tpu.memory_space<hbm>>) dst(%arg14 : memref<128x128xf32, #tpu.memory_space<vmem>>)
        %lt3A_162 = arith.cmpi slt, %add3A_135, %add3A_68 : i32
        %convert_element_type3A_163 = arith.extui %lt3A_162 : i1 to i32
        %cond3A_164 = arith.constant 0 : i32
        %cond3A_165 = arith.cmpi ne, %convert_element_type3A_163, %cond3A_164 : i32
        scf.if %cond3A_165 {
          %dma_wait3A_178 = arith.constant 0 : i32
          %dma_wait3A_179 = tpu.memref_slice %arg3[%dma_wait3A_178] : memref<320000xi32, #tpu.memory_space<hbm>> -> memref<128xi32, #tpu.memory_space<hbm>>
          %dma_wait3A_180 = arith.constant 0 : i32
          %dma_wait3A_181 = tpu.memref_slice %arg3[%dma_wait3A_180] : memref<320000xi32, #tpu.memory_space<hbm>> -> memref<128xi32, #tpu.memory_space<hbm>>
          tpu.wait_dma2 semaphore(%arg18 : memref<!tpu.dma_semaphore, #tpu.memory_space<semaphore_mem>>) src(%dma_wait3A_181 : memref<128xi32, #tpu.memory_space<hbm>>) dst(%arg9 : memref<128xi32, #tpu.memory_space<vmem>>)
          %dma_start3A_182 = arith.constant 0 : i32
          %dma_start3A_183 = arith.constant 0 : i32
          %dma_start3A_184 = tpu.memref_slice %arg2[%dma_start3A_182, %dma_start3A_183] : memref<10000x128xf32, #tpu.memory_space<hbm>> -> memref<10000x128xf32, #tpu.memory_space<hbm>>
          tpu.enqueue_indirect_dma source(%dma_start3A_184 : memref<10000x128xf32, #tpu.memory_space<hbm>>) target(%arg11 : memref<128x128xf32, #tpu.memory_space<vmem>>) offsets(%arg9 : memref<128xi32, #tpu.memory_space<vmem>>) semaphore(%arg22 : memref<!tpu.dma_semaphore, #tpu.memory_space<semaphore_mem>>)
        } else {
        }
        %lt3A_166 = arith.cmpi slt, %add3A_139, %add3A_68 : i32
        %convert_element_type3A_167 = arith.extui %lt3A_166 : i1 to i32
        %cond3A_168 = arith.constant 0 : i32
        %cond3A_169 = arith.cmpi ne, %convert_element_type3A_167, %cond3A_168 : i32
        scf.if %cond3A_169 {
          %mul3A_178 = arith.constant 32 : i32
          %mul3A_179 = arith.muli %add3A_139, %mul3A_178 : i32
          %add3A_180 = arith.addi %add3A, %mul3A_179 : i32
          %mul3A_181 = arith.constant 128 : i32
          %mul3A_182 = arith.muli %add3A_180, %mul3A_181 : i32
          %dma_start3A_183 = tpu.memref_slice %arg3[%mul3A_182] : memref<320000xi32, #tpu.memory_space<hbm>> -> memref<128xi32, #tpu.memory_space<hbm>>
          %dma_start3A_184 = tpu.memref_slice %arg3[%mul3A_182] : memref<320000xi32, #tpu.memory_space<hbm>> -> memref<128xi32, #tpu.memory_space<hbm>>
          tpu.enqueue_dma source(%dma_start3A_184 : memref<128xi32, #tpu.memory_space<hbm>>) target(%arg12 : memref<128xi32, #tpu.memory_space<vmem>>) target_semaphore(%arg20 : memref<!tpu.dma_semaphore, #tpu.memory_space<semaphore_mem>>)
        } else {
        }
        %dma_wait3A_170 = arith.constant 0 : i32
        %dma_wait3A_171 = tpu.memref_slice %arg4[%dma_wait3A_170] : memref<320000xi32, #tpu.memory_space<hbm>> -> memref<128xi32, #tpu.memory_space<hbm>>
        %dma_wait3A_172 = arith.constant 0 : i32
        %dma_wait3A_173 = tpu.memref_slice %arg4[%dma_wait3A_172] : memref<320000xi32, #tpu.memory_space<hbm>> -> memref<128xi32, #tpu.memory_space<hbm>>
        tpu.wait_dma2 semaphore(%arg21 : memref<!tpu.dma_semaphore, #tpu.memory_space<semaphore_mem>>) src(%dma_wait3A_173 : memref<128xi32, #tpu.memory_space<hbm>>) dst(%arg13 : memref<128xi32, #tpu.memory_space<vmem>>)
        "tpu.region"() ({
          %run_scoped3A = tpu.sem_alloc : memref<!tpu.dma_semaphore, #tpu.memory_space<semaphore_mem>>
          %dma_start3A_178 = arith.constant 0 : i32
          %dma_start3A_179 = arith.constant 0 : i32
          %dma_start3A_180 = tpu.memref_slice %arg16[%dma_start3A_178, %dma_start3A_179] : memref<10240x128xf32, #tpu.memory_space<vmem_shared>> -> memref<10240x128xf32, #tpu.memory_space<vmem_shared>>
          tpu.enqueue_indirect_dma source(%arg14 : memref<128x128xf32, #tpu.memory_space<vmem>>) target(%dma_start3A_180 : memref<10240x128xf32, #tpu.memory_space<vmem_shared>>) offsets(%arg13 : memref<128xi32, #tpu.memory_space<vmem>>) semaphore(%run_scoped3A : memref<!tpu.dma_semaphore, #tpu.memory_space<semaphore_mem>>) {add = true}
          %dma_wait3A_181 = arith.constant 0 : i32
          %dma_wait3A_182 = arith.constant 0 : i32
          %dma_wait3A_183 = tpu.memref_slice %arg16[%dma_wait3A_181, %dma_wait3A_182] : memref<10240x128xf32, #tpu.memory_space<vmem_shared>> -> memref<10240x128xf32, #tpu.memory_space<vmem_shared>>
          tpu.wait_indirect_dma semaphore(%run_scoped3A : memref<!tpu.dma_semaphore, #tpu.memory_space<semaphore_mem>>) src(%arg14 : memref<128x128xf32, #tpu.memory_space<vmem>>) dst(%dma_wait3A_183 : memref<10240x128xf32, #tpu.memory_space<vmem_shared>>)
          tpu.yield
        }) : () -> ()
        "tpu.region"() ({
          %run_scoped3A = tpu.sem_alloc : memref<!tpu.dma_semaphore, #tpu.memory_space<semaphore_mem>>
          %dma_start3A_178 = arith.constant 0 : i32
          %dma_start3A_179 = tpu.memref_slice %arg17[%dma_start3A_178] : memref<10240xf32, #tpu.memory_space<vmem_shared>> -> memref<10240xf32, #tpu.memory_space<vmem_shared>>
          tpu.enqueue_indirect_dma source(%arg15 : memref<128xf32, #tpu.memory_space<vmem>>) target(%dma_start3A_179 : memref<10240xf32, #tpu.memory_space<vmem_shared>>) offsets(%arg13 : memref<128xi32, #tpu.memory_space<vmem>>) semaphore(%run_scoped3A : memref<!tpu.dma_semaphore, #tpu.memory_space<semaphore_mem>>) {add = true}
          %dma_wait3A_180 = arith.constant 0 : i32
          %dma_wait3A_181 = tpu.memref_slice %arg17[%dma_wait3A_180] : memref<10240xf32, #tpu.memory_space<vmem_shared>> -> memref<10240xf32, #tpu.memory_space<vmem_shared>>
          tpu.wait_indirect_dma semaphore(%run_scoped3A : memref<!tpu.dma_semaphore, #tpu.memory_space<semaphore_mem>>) src(%arg15 : memref<128xf32, #tpu.memory_space<vmem>>) dst(%dma_wait3A_181 : memref<10240xf32, #tpu.memory_space<vmem_shared>>)
          tpu.yield
        }) : () -> ()
        %lt3A_174 = arith.cmpi slt, %add3A_139, %add3A_68 : i32
        %convert_element_type3A_175 = arith.extui %lt3A_174 : i1 to i32
        %cond3A_176 = arith.constant 0 : i32
        %cond3A_177 = arith.cmpi ne, %convert_element_type3A_175, %cond3A_176 : i32
        scf.if %cond3A_177 {
          %mul3A_178 = arith.constant 32 : i32
          %mul3A_179 = arith.muli %add3A_139, %mul3A_178 : i32
          %add3A_180 = arith.addi %add3A, %mul3A_179 : i32
          %mul3A_181 = arith.constant 128 : i32
          %mul3A_182 = arith.muli %add3A_180, %mul3A_181 : i32
          %dma_start3A_183 = tpu.memref_slice %arg4[%mul3A_182] : memref<320000xi32, #tpu.memory_space<hbm>> -> memref<128xi32, #tpu.memory_space<hbm>>
          %dma_start3A_184 = tpu.memref_slice %arg4[%mul3A_182] : memref<320000xi32, #tpu.memory_space<hbm>> -> memref<128xi32, #tpu.memory_space<hbm>>
          tpu.enqueue_dma source(%dma_start3A_184 : memref<128xi32, #tpu.memory_space<hbm>>) target(%arg13 : memref<128xi32, #tpu.memory_space<vmem>>) target_semaphore(%arg21 : memref<!tpu.dma_semaphore, #tpu.memory_space<semaphore_mem>>)
        } else {
        }
      } else {
      }
    }
    %while3A_125 = arith.constant 1 : i32
    scf.for %while3A_127 = %while3A_123 to %while3A_119 step %while3A_125  : i32 {
      %mul3A_128 = arith.constant 2 : i32
      %mul3A_129 = arith.muli %mul3A_128, %while3A_127 : i32
      %add3A_130 = arith.constant 1 : i32
      %add3A_131 = arith.addi %mul3A_129, %add3A_130 : i32
      %mul3A_132 = arith.constant 2 : i32
      %mul3A_133 = arith.muli %mul3A_132, %while3A_127 : i32
      %add3A_134 = arith.constant 2 : i32
      %add3A_135 = arith.addi %mul3A_133, %add3A_134 : i32
      %mul3A_136 = arith.constant 2 : i32
      %mul3A_137 = arith.muli %mul3A_136, %while3A_127 : i32
      %add3A_138 = arith.constant 3 : i32
      %add3A_139 = arith.addi %mul3A_137, %add3A_138 : i32
      %lt3A = arith.cmpi slt, %add3A_131, %add3A_68 : i32
      %convert_element_type3A = arith.extui %lt3A : i1 to i32
      %cond3A = arith.constant 0 : i32
      %cond3A_140 = arith.cmpi ne, %convert_element_type3A, %cond3A : i32
      scf.if %cond3A_140 {
        %dma_wait3A_159 = arith.constant 0 : i32
        %dma_wait3A_160 = tpu.memref_slice %arg3[%dma_wait3A_159] : memref<320000xi32, #tpu.memory_space<hbm>> -> memref<128xi32, #tpu.memory_space<hbm>>
        %dma_wait3A_161 = arith.constant 0 : i32
        %dma_wait3A_162 = tpu.memref_slice %arg3[%dma_wait3A_161] : memref<320000xi32, #tpu.memory_space<hbm>> -> memref<128xi32, #tpu.memory_space<hbm>>
        tpu.wait_dma2 semaphore(%arg20 : memref<!tpu.dma_semaphore, #tpu.memory_space<semaphore_mem>>) src(%dma_wait3A_162 : memref<128xi32, #tpu.memory_space<hbm>>) dst(%arg12 : memref<128xi32, #tpu.memory_space<vmem>>)
        %dma_start3A_163 = arith.constant 0 : i32
        %dma_start3A_164 = arith.constant 0 : i32
        %dma_start3A_165 = tpu.memref_slice %arg2[%dma_start3A_163, %dma_start3A_164] : memref<10000x128xf32, #tpu.memory_space<hbm>> -> memref<10000x128xf32, #tpu.memory_space<hbm>>
        tpu.enqueue_indirect_dma source(%dma_start3A_165 : memref<10000x128xf32, #tpu.memory_space<hbm>>) target(%arg14 : memref<128x128xf32, #tpu.memory_space<vmem>>) offsets(%arg12 : memref<128xi32, #tpu.memory_space<vmem>>) semaphore(%arg23 : memref<!tpu.dma_semaphore, #tpu.memory_space<semaphore_mem>>)
      } else {
      }
      %dma_wait3A = arith.constant 0 : i32
      %dma_wait3A_141 = arith.constant 0 : i32
      %dma_wait3A_142 = tpu.memref_slice %arg2[%dma_wait3A, %dma_wait3A_141] : memref<10000x128xf32, #tpu.memory_space<hbm>> -> memref<10000x128xf32, #tpu.memory_space<hbm>>
      tpu.wait_indirect_dma semaphore(%arg22 : memref<!tpu.dma_semaphore, #tpu.memory_space<semaphore_mem>>) src(%dma_wait3A_142 : memref<10000x128xf32, #tpu.memory_space<hbm>>) dst(%arg11 : memref<128x128xf32, #tpu.memory_space<vmem>>)
      %lt3A_143 = arith.cmpi slt, %add3A_135, %add3A_68 : i32
      %convert_element_type3A_144 = arith.extui %lt3A_143 : i1 to i32
      %cond3A_145 = arith.constant 0 : i32
      %cond3A_146 = arith.cmpi ne, %convert_element_type3A_144, %cond3A_145 : i32
      scf.if %cond3A_146 {
        %mul3A_159 = arith.constant 32 : i32
        %mul3A_160 = arith.muli %add3A_135, %mul3A_159 : i32
        %add3A_161 = arith.addi %add3A, %mul3A_160 : i32
        %mul3A_162 = arith.constant 128 : i32
        %mul3A_163 = arith.muli %add3A_161, %mul3A_162 : i32
        %dma_start3A_164 = tpu.memref_slice %arg3[%mul3A_163] : memref<320000xi32, #tpu.memory_space<hbm>> -> memref<128xi32, #tpu.memory_space<hbm>>
        %dma_start3A_165 = tpu.memref_slice %arg3[%mul3A_163] : memref<320000xi32, #tpu.memory_space<hbm>> -> memref<128xi32, #tpu.memory_space<hbm>>
        tpu.enqueue_dma source(%dma_start3A_165 : memref<128xi32, #tpu.memory_space<hbm>>) target(%arg9 : memref<128xi32, #tpu.memory_space<vmem>>) target_semaphore(%arg18 : memref<!tpu.dma_semaphore, #tpu.memory_space<semaphore_mem>>)
      } else {
      }
      %gt3A = arith.constant 0 : i32
      %gt3A_147 = arith.cmpi sgt, %while3A_127, %gt3A : i32
      %convert_element_type3A_148 = arith.extui %gt3A_147 : i1 to i32
      %cond3A_149 = arith.constant 0 : i32
      %cond3A_150 = arith.cmpi ne, %convert_element_type3A_148, %cond3A_149 : i32
      scf.if %cond3A_150 {
        %dma_wait3A_159 = arith.constant 0 : i32
        %dma_wait3A_160 = tpu.memref_slice %arg4[%dma_wait3A_159] : memref<320000xi32, #tpu.memory_space<hbm>> -> memref<128xi32, #tpu.memory_space<hbm>>
        %dma_wait3A_161 = arith.constant 0 : i32
        %dma_wait3A_162 = tpu.memref_slice %arg4[%dma_wait3A_161] : memref<320000xi32, #tpu.memory_space<hbm>> -> memref<128xi32, #tpu.memory_space<hbm>>
        tpu.wait_dma2 semaphore(%arg19 : memref<!tpu.dma_semaphore, #tpu.memory_space<semaphore_mem>>) src(%dma_wait3A_162 : memref<128xi32, #tpu.memory_space<hbm>>) dst(%arg10 : memref<128xi32, #tpu.memory_space<vmem>>)
      } else {
      }
      "tpu.region"() ({
        %run_scoped3A = tpu.sem_alloc : memref<!tpu.dma_semaphore, #tpu.memory_space<semaphore_mem>>
        %dma_start3A_159 = arith.constant 0 : i32
        %dma_start3A_160 = arith.constant 0 : i32
        %dma_start3A_161 = tpu.memref_slice %arg16[%dma_start3A_159, %dma_start3A_160] : memref<10240x128xf32, #tpu.memory_space<vmem_shared>> -> memref<10240x128xf32, #tpu.memory_space<vmem_shared>>
        tpu.enqueue_indirect_dma source(%arg11 : memref<128x128xf32, #tpu.memory_space<vmem>>) target(%dma_start3A_161 : memref<10240x128xf32, #tpu.memory_space<vmem_shared>>) offsets(%arg10 : memref<128xi32, #tpu.memory_space<vmem>>) semaphore(%run_scoped3A : memref<!tpu.dma_semaphore, #tpu.memory_space<semaphore_mem>>) {add = true}
        %dma_wait3A_162 = arith.constant 0 : i32
        %dma_wait3A_163 = arith.constant 0 : i32
        %dma_wait3A_164 = tpu.memref_slice %arg16[%dma_wait3A_162, %dma_wait3A_163] : memref<10240x128xf32, #tpu.memory_space<vmem_shared>> -> memref<10240x128xf32, #tpu.memory_space<vmem_shared>>
        tpu.wait_indirect_dma semaphore(%run_scoped3A : memref<!tpu.dma_semaphore, #tpu.memory_space<semaphore_mem>>) src(%arg11 : memref<128x128xf32, #tpu.memory_space<vmem>>) dst(%dma_wait3A_164 : memref<10240x128xf32, #tpu.memory_space<vmem_shared>>)
        tpu.yield
      }) : () -> ()
      "tpu.region"() ({
        %run_scoped3A = tpu.sem_alloc : memref<!tpu.dma_semaphore, #tpu.memory_space<semaphore_mem>>
        %dma_start3A_159 = arith.constant 0 : i32
        %dma_start3A_160 = tpu.memref_slice %arg17[%dma_start3A_159] : memref<10240xf32, #tpu.memory_space<vmem_shared>> -> memref<10240xf32, #tpu.memory_space<vmem_shared>>
        tpu.enqueue_indirect_dma source(%arg15 : memref<128xf32, #tpu.memory_space<vmem>>) target(%dma_start3A_160 : memref<10240xf32, #tpu.memory_space<vmem_shared>>) offsets(%arg10 : memref<128xi32, #tpu.memory_space<vmem>>) semaphore(%run_scoped3A : memref<!tpu.dma_semaphore, #tpu.memory_space<semaphore_mem>>) {add = true}
        %dma_wait3A_161 = arith.constant 0 : i32
        %dma_wait3A_162 = tpu.memref_slice %arg17[%dma_wait3A_161] : memref<10240xf32, #tpu.memory_space<vmem_shared>> -> memref<10240xf32, #tpu.memory_space<vmem_shared>>
        tpu.wait_indirect_dma semaphore(%run_scoped3A : memref<!tpu.dma_semaphore, #tpu.memory_space<semaphore_mem>>) src(%arg15 : memref<128xf32, #tpu.memory_space<vmem>>) dst(%dma_wait3A_162 : memref<10240xf32, #tpu.memory_space<vmem_shared>>)
        tpu.yield
      }) : () -> ()
      %lt3A_151 = arith.cmpi slt, %add3A_135, %add3A_68 : i32
      %convert_element_type3A_152 = arith.extui %lt3A_151 : i1 to i32
      %cond3A_153 = arith.constant 0 : i32
      %cond3A_154 = arith.cmpi ne, %convert_element_type3A_152, %cond3A_153 : i32
      scf.if %cond3A_154 {
        %mul3A_159 = arith.constant 32 : i32
        %mul3A_160 = arith.muli %add3A_135, %mul3A_159 : i32
        %add3A_161 = arith.addi %add3A, %mul3A_160 : i32
        %mul3A_162 = arith.constant 128 : i32
        %mul3A_163 = arith.muli %add3A_161, %mul3A_162 : i32
        %dma_start3A_164 = tpu.memref_slice %arg4[%mul3A_163] : memref<320000xi32, #tpu.memory_space<hbm>> -> memref<128xi32, #tpu.memory_space<hbm>>
        %dma_start3A_165 = tpu.memref_slice %arg4[%mul3A_163] : memref<320000xi32, #tpu.memory_space<hbm>> -> memref<128xi32, #tpu.memory_space<hbm>>
        tpu.enqueue_dma source(%dma_start3A_165 : memref<128xi32, #tpu.memory_space<hbm>>) target(%arg10 : memref<128xi32, #tpu.memory_space<vmem>>) target_semaphore(%arg19 : memref<!tpu.dma_semaphore, #tpu.memory_space<semaphore_mem>>)
      } else {
      }
      %lt3A_155 = arith.cmpi slt, %add3A_131, %add3A_68 : i32
      %convert_element_type3A_156 = arith.extui %lt3A_155 : i1 to i32
      %cond3A_157 = arith.constant 0 : i32
      %cond3A_158 = arith.cmpi ne, %convert_element_type3A_156, %cond3A_157 : i32
      scf.if %cond3A_158 {
        %dma_wait3A_159 = arith.constant 0 : i32
        %dma_wait3A_160 = arith.constant 0 : i32
        %dma_wait3A_161 = tpu.memref_slice %arg2[%dma_wait3A_159, %dma_wait3A_160] : memref<10000x128xf32, #tpu.memory_space<hbm>> -> memref<10000x128xf32, #tpu.memory_space<hbm>>
        tpu.wait_indirect_dma semaphore(%arg23 : memref<!tpu.dma_semaphore, #tpu.memory_space<semaphore_mem>>) src(%dma_wait3A_161 : memref<10000x128xf32, #tpu.memory_space<hbm>>) dst(%arg14 : memref<128x128xf32, #tpu.memory_space<vmem>>)
        %lt3A_162 = arith.cmpi slt, %add3A_135, %add3A_68 : i32
        %convert_element_type3A_163 = arith.extui %lt3A_162 : i1 to i32
        %cond3A_164 = arith.constant 0 : i32
        %cond3A_165 = arith.cmpi ne, %convert_element_type3A_163, %cond3A_164 : i32
        scf.if %cond3A_165 {
          %dma_wait3A_178 = arith.constant 0 : i32
          %dma_wait3A_179 = tpu.memref_slice %arg3[%dma_wait3A_178] : memref<320000xi32, #tpu.memory_space<hbm>> -> memref<128xi32, #tpu.memory_space<hbm>>
          %dma_wait3A_180 = arith.constant 0 : i32
          %dma_wait3A_181 = tpu.memref_slice %arg3[%dma_wait3A_180] : memref<320000xi32, #tpu.memory_space<hbm>> -> memref<128xi32, #tpu.memory_space<hbm>>
          tpu.wait_dma2 semaphore(%arg18 : memref<!tpu.dma_semaphore, #tpu.memory_space<semaphore_mem>>) src(%dma_wait3A_181 : memref<128xi32, #tpu.memory_space<hbm>>) dst(%arg9 : memref<128xi32, #tpu.memory_space<vmem>>)
          %dma_start3A_182 = arith.constant 0 : i32
          %dma_start3A_183 = arith.constant 0 : i32
          %dma_start3A_184 = tpu.memref_slice %arg2[%dma_start3A_182, %dma_start3A_183] : memref<10000x128xf32, #tpu.memory_space<hbm>> -> memref<10000x128xf32, #tpu.memory_space<hbm>>
          tpu.enqueue_indirect_dma source(%dma_start3A_184 : memref<10000x128xf32, #tpu.memory_space<hbm>>) target(%arg11 : memref<128x128xf32, #tpu.memory_space<vmem>>) offsets(%arg9 : memref<128xi32, #tpu.memory_space<vmem>>) semaphore(%arg22 : memref<!tpu.dma_semaphore, #tpu.memory_space<semaphore_mem>>)
        } else {
        }
        %lt3A_166 = arith.cmpi slt, %add3A_139, %add3A_68 : i32
        %convert_element_type3A_167 = arith.extui %lt3A_166 : i1 to i32
        %cond3A_168 = arith.constant 0 : i32
        %cond3A_169 = arith.cmpi ne, %convert_element_type3A_167, %cond3A_168 : i32
        scf.if %cond3A_169 {
          %mul3A_178 = arith.constant 32 : i32
          %mul3A_179 = arith.muli %add3A_139, %mul3A_178 : i32
          %add3A_180 = arith.addi %add3A, %mul3A_179 : i32
          %mul3A_181 = arith.constant 128 : i32
          %mul3A_182 = arith.muli %add3A_180, %mul3A_181 : i32
          %dma_start3A_183 = tpu.memref_slice %arg3[%mul3A_182] : memref<320000xi32, #tpu.memory_space<hbm>> -> memref<128xi32, #tpu.memory_space<hbm>>
          %dma_start3A_184 = tpu.memref_slice %arg3[%mul3A_182] : memref<320000xi32, #tpu.memory_space<hbm>> -> memref<128xi32, #tpu.memory_space<hbm>>
          tpu.enqueue_dma source(%dma_start3A_184 : memref<128xi32, #tpu.memory_space<hbm>>) target(%arg12 : memref<128xi32, #tpu.memory_space<vmem>>) target_semaphore(%arg20 : memref<!tpu.dma_semaphore, #tpu.memory_space<semaphore_mem>>)
        } else {
        }
        %dma_wait3A_170 = arith.constant 0 : i32
        %dma_wait3A_171 = tpu.memref_slice %arg4[%dma_wait3A_170] : memref<320000xi32, #tpu.memory_space<hbm>> -> memref<128xi32, #tpu.memory_space<hbm>>
        %dma_wait3A_172 = arith.constant 0 : i32
        %dma_wait3A_173 = tpu.memref_slice %arg4[%dma_wait3A_172] : memref<320000xi32, #tpu.memory_space<hbm>> -> memref<128xi32, #tpu.memory_space<hbm>>
        tpu.wait_dma2 semaphore(%arg21 : memref<!tpu.dma_semaphore, #tpu.memory_space<semaphore_mem>>) src(%dma_wait3A_173 : memref<128xi32, #tpu.memory_space<hbm>>) dst(%arg13 : memref<128xi32, #tpu.memory_space<vmem>>)
        "tpu.region"() ({
          %run_scoped3A = tpu.sem_alloc : memref<!tpu.dma_semaphore, #tpu.memory_space<semaphore_mem>>
          %dma_start3A_178 = arith.constant 0 : i32
          %dma_start3A_179 = arith.constant 0 : i32
          %dma_start3A_180 = tpu.memref_slice %arg16[%dma_start3A_178, %dma_start3A_179] : memref<10240x128xf32, #tpu.memory_space<vmem_shared>> -> memref<10240x128xf32, #tpu.memory_space<vmem_shared>>
          tpu.enqueue_indirect_dma source(%arg14 : memref<128x128xf32, #tpu.memory_space<vmem>>) target(%dma_start3A_180 : memref<10240x128xf32, #tpu.memory_space<vmem_shared>>) offsets(%arg13 : memref<128xi32, #tpu.memory_space<vmem>>) semaphore(%run_scoped3A : memref<!tpu.dma_semaphore, #tpu.memory_space<semaphore_mem>>) {add = true}
          %dma_wait3A_181 = arith.constant 0 : i32
          %dma_wait3A_182 = arith.constant 0 : i32
          %dma_wait3A_183 = tpu.memref_slice %arg16[%dma_wait3A_181, %dma_wait3A_182] : memref<10240x128xf32, #tpu.memory_space<vmem_shared>> -> memref<10240x128xf32, #tpu.memory_space<vmem_shared>>
          tpu.wait_indirect_dma semaphore(%run_scoped3A : memref<!tpu.dma_semaphore, #tpu.memory_space<semaphore_mem>>) src(%arg14 : memref<128x128xf32, #tpu.memory_space<vmem>>) dst(%dma_wait3A_183 : memref<10240x128xf32, #tpu.memory_space<vmem_shared>>)
          tpu.yield
        }) : () -> ()
        "tpu.region"() ({
          %run_scoped3A = tpu.sem_alloc : memref<!tpu.dma_semaphore, #tpu.memory_space<semaphore_mem>>
          %dma_start3A_178 = arith.constant 0 : i32
          %dma_start3A_179 = tpu.memref_slice %arg17[%dma_start3A_178] : memref<10240xf32, #tpu.memory_space<vmem_shared>> -> memref<10240xf32, #tpu.memory_space<vmem_shared>>
          tpu.enqueue_indirect_dma source(%arg15 : memref<128xf32, #tpu.memory_space<vmem>>) target(%dma_start3A_179 : memref<10240xf32, #tpu.memory_space<vmem_shared>>) offsets(%arg13 : memref<128xi32, #tpu.memory_space<vmem>>) semaphore(%run_scoped3A : memref<!tpu.dma_semaphore, #tpu.memory_space<semaphore_mem>>) {add = true}
          %dma_wait3A_180 = arith.constant 0 : i32
          %dma_wait3A_181 = tpu.memref_slice %arg17[%dma_wait3A_180] : memref<10240xf32, #tpu.memory_space<vmem_shared>> -> memref<10240xf32, #tpu.memory_space<vmem_shared>>
          tpu.wait_indirect_dma semaphore(%run_scoped3A : memref<!tpu.dma_semaphore, #tpu.memory_space<semaphore_mem>>) src(%arg15 : memref<128xf32, #tpu.memory_space<vmem>>) dst(%dma_wait3A_181 : memref<10240xf32, #tpu.memory_space<vmem_shared>>)
          tpu.yield
        }) : () -> ()
        %lt3A_174 = arith.cmpi slt, %add3A_139, %add3A_68 : i32
        %convert_element_type3A_175 = arith.extui %lt3A_174 : i1 to i32
        %cond3A_176 = arith.constant 0 : i32
        %cond3A_177 = arith.cmpi ne, %convert_element_type3A_175, %cond3A_176 : i32
        scf.if %cond3A_177 {
          %mul3A_178 = arith.constant 32 : i32
          %mul3A_179 = arith.muli %add3A_139, %mul3A_178 : i32
          %add3A_180 = arith.addi %add3A, %mul3A_179 : i32
          %mul3A_181 = arith.constant 128 : i32
          %mul3A_182 = arith.muli %add3A_180, %mul3A_181 : i32
          %dma_start3A_183 = tpu.memref_slice %arg4[%mul3A_182] : memref<320000xi32, #tpu.memory_space<hbm>> -> memref<128xi32, #tpu.memory_space<hbm>>
          %dma_start3A_184 = tpu.memref_slice %arg4[%mul3A_182] : memref<320000xi32, #tpu.memory_space<hbm>> -> memref<128xi32, #tpu.memory_space<hbm>>
          tpu.enqueue_dma source(%dma_start3A_184 : memref<128xi32, #tpu.memory_space<hbm>>) target(%arg13 : memref<128xi32, #tpu.memory_space<vmem>>) target_semaphore(%arg21 : memref<!tpu.dma_semaphore, #tpu.memory_space<semaphore_mem>>)
        } else {
        }
      } else {
      }
    }
    %barrier3A_126 = arith.constant 0 : index
    tpu.barrier barrier_id(%barrier3A_126)
    "tpu.region"() ({
      %run_scoped3A = tpu.sem_alloc : memref<!tpu.dma_semaphore, #tpu.memory_space<semaphore_mem>>
      %dma_start3A_127 = arith.constant 0 : i32
      %dma_start3A_128 = tpu.memref_slice %arg7[%arg0, %mul3A_2, %dma_start3A_127] : memref<2x10240x128xf32, #tpu.memory_space<hbm>> -> memref<1x640x128xf32, #tpu.memory_space<hbm>>
      %dma_start3A_129 = tpu.memref_squeeze %dma_start3A_128 : memref<1x640x128xf32, #tpu.memory_space<hbm>> -> memref<640x128xf32, #tpu.memory_space<hbm>>
      %dma_start3A_130 = arith.constant 0 : i32
      %dma_start3A_131 = tpu.memref_slice %arg16[%mul3A_2, %dma_start3A_130] : memref<10240x128xf32, #tpu.memory_space<vmem_shared>> -> memref<640x128xf32, #tpu.memory_space<vmem_shared>>
      tpu.enqueue_dma source(%dma_start3A_131 : memref<640x128xf32, #tpu.memory_space<vmem_shared>>) target(%dma_start3A_129 : memref<640x128xf32, #tpu.memory_space<hbm>>) target_semaphore(%run_scoped3A : memref<!tpu.dma_semaphore, #tpu.memory_space<semaphore_mem>>)
      %dma_wait3A = arith.constant 0 : i32
      %dma_wait3A_132 = tpu.memref_slice %arg7[%arg0, %mul3A_2, %dma_wait3A] : memref<2x10240x128xf32, #tpu.memory_space<hbm>> -> memref<1x640x128xf32, #tpu.memory_space<hbm>>
      %dma_wait3A_133 = tpu.memref_squeeze %dma_wait3A_132 : memref<1x640x128xf32, #tpu.memory_space<hbm>> -> memref<640x128xf32, #tpu.memory_space<hbm>>
      %dma_wait3A_134 = arith.constant 0 : i32
      %dma_wait3A_135 = tpu.memref_slice %arg16[%mul3A_2, %dma_wait3A_134] : memref<10240x128xf32, #tpu.memory_space<vmem_shared>> -> memref<640x128xf32, #tpu.memory_space<vmem_shared>>
      tpu.wait_dma2 semaphore(%run_scoped3A : memref<!tpu.dma_semaphore, #tpu.memory_space<semaphore_mem>>) src(%dma_wait3A_135 : memref<640x128xf32, #tpu.memory_space<vmem_shared>>) dst(%dma_wait3A_133 : memref<640x128xf32, #tpu.memory_space<hbm>>)
      tpu.yield
    }) : () -> ()
    "tpu.region"() ({
      %run_scoped3A = tpu.sem_alloc : memref<!tpu.dma_semaphore, #tpu.memory_space<semaphore_mem>>
      %dma_start3A_127 = tpu.memref_slice %arg8[%arg0, %mul3A_2] : memref<2x10240xf32, #tpu.memory_space<hbm>> -> memref<1x640xf32, #tpu.memory_space<hbm>>
      %dma_start3A_128 = tpu.memref_squeeze %dma_start3A_127 : memref<1x640xf32, #tpu.memory_space<hbm>> -> memref<640xf32, #tpu.memory_space<hbm>>
      %dma_start3A_129 = tpu.memref_slice %arg17[%mul3A_2] : memref<10240xf32, #tpu.memory_space<vmem_shared>> -> memref<640xf32, #tpu.memory_space<vmem_shared>>
      tpu.enqueue_dma source(%dma_start3A_129 : memref<640xf32, #tpu.memory_space<vmem_shared>>) target(%dma_start3A_128 : memref<640xf32, #tpu.memory_space<hbm>>) target_semaphore(%run_scoped3A : memref<!tpu.dma_semaphore, #tpu.memory_space<semaphore_mem>>)
      %dma_wait3A = tpu.memref_slice %arg8[%arg0, %mul3A_2] : memref<2x10240xf32, #tpu.memory_space<hbm>> -> memref<1x640xf32, #tpu.memory_space<hbm>>
      %dma_wait3A_130 = tpu.memref_squeeze %dma_wait3A : memref<1x640xf32, #tpu.memory_space<hbm>> -> memref<640xf32, #tpu.memory_space<hbm>>
      %dma_wait3A_131 = tpu.memref_slice %arg17[%mul3A_2] : memref<10240xf32, #tpu.memory_space<vmem_shared>> -> memref<640xf32, #tpu.memory_space<vmem_shared>>
      tpu.wait_dma2 semaphore(%run_scoped3A : memref<!tpu.dma_semaphore, #tpu.memory_space<semaphore_mem>>) src(%dma_wait3A_131 : memref<640xf32, #tpu.memory_space<vmem_shared>>) dst(%dma_wait3A_130 : memref<640xf32, #tpu.memory_space<hbm>>)
      tpu.yield
    }) : () -> ()
    return
  }
}

#map = affine_map<(d0, d1) -> (0, 0)>
#map1 = affine_map<(d0, d1) -> (0)>
#map2 = affine_map<(d0, d1) -> (0, 0, 0)>
module attributes {stable_mosaic.version = 14 : i64} {
  func.func @agg(%arg0: i32, %arg1: i32, %arg2: memref<10240x64xf32, #tpu.memory_space<hbm>>, %arg3: memref<320000xi32, #tpu.memory_space<hbm>>, %arg4: memref<320000xi32, #tpu.memory_space<hbm>>, %arg5: memref<10240x64xf32, #tpu.memory_space<hbm>>, %arg6: memref<10240xf32, #tpu.memory_space<hbm>>, %arg7: memref<2x10240x64xf32, #tpu.memory_space<hbm>>, %arg8: memref<128xi32, #tpu.memory_space<vmem>>, %arg9: memref<128xi32, #tpu.memory_space<vmem>>, %arg10: memref<128x64xf32, #tpu.memory_space<vmem>>, %arg11: memref<128xi32, #tpu.memory_space<vmem>>, %arg12: memref<128xi32, #tpu.memory_space<vmem>>, %arg13: memref<128x64xf32, #tpu.memory_space<vmem>>, %arg14: memref<128xf32, #tpu.memory_space<vmem>>, %arg15: memref<10240x64xf32, #tpu.memory_space<vmem_shared>>, %arg16: memref<10240xf32, #tpu.memory_space<vmem_shared>>, %arg17: memref<!tpu.dma_semaphore, #tpu.memory_space<semaphore_mem>>, %arg18: memref<!tpu.dma_semaphore, #tpu.memory_space<semaphore_mem>>, %arg19: memref<!tpu.dma_semaphore, #tpu.memory_space<semaphore_mem>>, %arg20: memref<!tpu.dma_semaphore, #tpu.memory_space<semaphore_mem>>, %arg21: memref<!tpu.dma_semaphore, #tpu.memory_space<semaphore_mem>>, %arg22: memref<!tpu.dma_semaphore, #tpu.memory_space<semaphore_mem>>) attributes {dimension_semantics = [#tpu.dimension_semantics<core_parallel>, #tpu.dimension_semantics<subcore_parallel>], iteration_bounds = array<i64: 2, 16>, scalar_prefetch = 0 : i64, scratch_operands = 15 : i64, tpu.core_type = #tpu.core_type<sc_vector_subcore>, window_params = [{transform_indices = #map}, {transform_indices = #map1}, {transform_indices = #map1}, {transform_indices = #map}, {transform_indices = #map1}, {transform_indices = #map2}]} {
    %mul3A = arith.constant 2 : i32
    %mul3A_0 = arith.muli %arg1, %mul3A : i32
    %add3A = arith.addi %mul3A_0, %arg0 : i32
    %mul3A_1 = arith.constant 640 : i32
    %mul3A_2 = arith.muli %arg1, %mul3A_1 : i32
    "tpu.region"() ({
      %run_scoped3A = tpu.sem_alloc : memref<!tpu.dma_semaphore, #tpu.memory_space<semaphore_mem>>
      %dma_start3A_81 = arith.constant 0 : i32
      %dma_start3A_82 = tpu.memref_slice %arg15[%mul3A_2, %dma_start3A_81] : memref<10240x64xf32, #tpu.memory_space<vmem_shared>> -> memref<640x64xf32, #tpu.memory_space<vmem_shared>>
      %dma_start3A_83 = arith.constant 0 : i32
      %dma_start3A_84 = tpu.memref_slice %arg5[%mul3A_2, %dma_start3A_83] : memref<10240x64xf32, #tpu.memory_space<hbm>> -> memref<640x64xf32, #tpu.memory_space<hbm>>
      tpu.enqueue_dma source(%dma_start3A_84 : memref<640x64xf32, #tpu.memory_space<hbm>>) target(%dma_start3A_82 : memref<640x64xf32, #tpu.memory_space<vmem_shared>>) target_semaphore(%run_scoped3A : memref<!tpu.dma_semaphore, #tpu.memory_space<semaphore_mem>>)
      %dma_wait3A = arith.constant 0 : i32
      %dma_wait3A_85 = tpu.memref_slice %arg15[%mul3A_2, %dma_wait3A] : memref<10240x64xf32, #tpu.memory_space<vmem_shared>> -> memref<640x64xf32, #tpu.memory_space<vmem_shared>>
      %dma_wait3A_86 = arith.constant 0 : i32
      %dma_wait3A_87 = tpu.memref_slice %arg5[%mul3A_2, %dma_wait3A_86] : memref<10240x64xf32, #tpu.memory_space<hbm>> -> memref<640x64xf32, #tpu.memory_space<hbm>>
      tpu.wait_dma2 semaphore(%run_scoped3A : memref<!tpu.dma_semaphore, #tpu.memory_space<semaphore_mem>>) src(%dma_wait3A_87 : memref<640x64xf32, #tpu.memory_space<hbm>>) dst(%dma_wait3A_85 : memref<640x64xf32, #tpu.memory_space<vmem_shared>>)
      tpu.yield
    }) : () -> ()
    %barrier3A = arith.constant 0 : index
    tpu.barrier barrier_id(%barrier3A)
    %sub3A = arith.constant 2499 : i32
    %sub3A_3 = arith.subi %sub3A, %add3A : i32
    %jit3A = arith.constant 32 : i32
    %div3A = arith.divsi %sub3A_3, %jit3A : i32
    %sign3A = arith.constant 0 : i32
    %sign3A_4 = arith.cmpi sgt, %sub3A_3, %sign3A : i32
    %sign3A_5 = arith.extui %sign3A_4 : i1 to i32
    %sign3A_6 = arith.constant 0 : i32
    %sign3A_7 = arith.cmpi slt, %sub3A_3, %sign3A_6 : i32
    %sign3A_8 = arith.extui %sign3A_7 : i1 to i32
    %sign3A_9 = arith.subi %sign3A_5, %sign3A_8 : i32
    %sign3A_10 = arith.constant 0 : i32
    %sign3A_11 = arith.cmpi sgt, %jit3A, %sign3A_10 : i32
    %sign3A_12 = arith.extui %sign3A_11 : i1 to i32
    %sign3A_13 = arith.constant 0 : i32
    %sign3A_14 = arith.cmpi slt, %jit3A, %sign3A_13 : i32
    %sign3A_15 = arith.extui %sign3A_14 : i1 to i32
    %sign3A_16 = arith.subi %sign3A_12, %sign3A_15 : i32
    %ne3A = arith.cmpi ne, %sign3A_9, %sign3A_16 : i32
    %rem3A = arith.remsi %sub3A_3, %jit3A : i32
    %ne3A_17 = arith.constant 0 : i32
    %ne3A_18 = arith.cmpi ne, %rem3A, %ne3A_17 : i32
    %and3A = arith.andi %ne3A, %ne3A_18 : i1
    %sub3A_19 = arith.constant 1 : i32
    %sub3A_20 = arith.subi %div3A, %sub3A_19 : i32
    %select_n3A = arith.select %and3A, %sub3A_20, %div3A : i32
    %add3A_21 = arith.constant 1 : i32
    %add3A_22 = arith.addi %select_n3A, %add3A_21 : i32
    %add3A_23 = arith.constant 0 : i32
    %add3A_24 = arith.addi %add3A, %add3A_23 : i32
    %mul3A_25 = arith.constant 128 : i32
    %mul3A_26 = arith.muli %add3A_24, %mul3A_25 : i32
    "tpu.region"() ({
      %run_scoped3A = tpu.sem_alloc : memref<!tpu.dma_semaphore, #tpu.memory_space<semaphore_mem>>
      %dma_start3A_81 = tpu.memref_slice %arg3[%mul3A_26] : memref<320000xi32, #tpu.memory_space<hbm>> -> memref<128xi32, #tpu.memory_space<hbm>>
      %dma_start3A_82 = tpu.memref_slice %arg3[%mul3A_26] : memref<320000xi32, #tpu.memory_space<hbm>> -> memref<128xi32, #tpu.memory_space<hbm>>
      tpu.enqueue_dma source(%dma_start3A_82 : memref<128xi32, #tpu.memory_space<hbm>>) target(%arg8 : memref<128xi32, #tpu.memory_space<vmem>>) target_semaphore(%run_scoped3A : memref<!tpu.dma_semaphore, #tpu.memory_space<semaphore_mem>>)
      %dma_wait3A = tpu.memref_slice %arg3[%mul3A_26] : memref<320000xi32, #tpu.memory_space<hbm>> -> memref<128xi32, #tpu.memory_space<hbm>>
      %dma_wait3A_83 = tpu.memref_slice %arg3[%mul3A_26] : memref<320000xi32, #tpu.memory_space<hbm>> -> memref<128xi32, #tpu.memory_space<hbm>>
      tpu.wait_dma2 semaphore(%run_scoped3A : memref<!tpu.dma_semaphore, #tpu.memory_space<semaphore_mem>>) src(%dma_wait3A_83 : memref<128xi32, #tpu.memory_space<hbm>>) dst(%arg8 : memref<128xi32, #tpu.memory_space<vmem>>)
      tpu.yield
    }) : () -> ()
    %add3A_27 = arith.constant 0 : i32
    %add3A_28 = arith.addi %add3A, %add3A_27 : i32
    %mul3A_29 = arith.constant 128 : i32
    %mul3A_30 = arith.muli %add3A_28, %mul3A_29 : i32
    "tpu.region"() ({
      %run_scoped3A = tpu.sem_alloc : memref<!tpu.dma_semaphore, #tpu.memory_space<semaphore_mem>>
      %dma_start3A_81 = tpu.memref_slice %arg4[%mul3A_30] : memref<320000xi32, #tpu.memory_space<hbm>> -> memref<128xi32, #tpu.memory_space<hbm>>
      %dma_start3A_82 = tpu.memref_slice %arg4[%mul3A_30] : memref<320000xi32, #tpu.memory_space<hbm>> -> memref<128xi32, #tpu.memory_space<hbm>>
      tpu.enqueue_dma source(%dma_start3A_82 : memref<128xi32, #tpu.memory_space<hbm>>) target(%arg9 : memref<128xi32, #tpu.memory_space<vmem>>) target_semaphore(%run_scoped3A : memref<!tpu.dma_semaphore, #tpu.memory_space<semaphore_mem>>)
      %dma_wait3A = tpu.memref_slice %arg4[%mul3A_30] : memref<320000xi32, #tpu.memory_space<hbm>> -> memref<128xi32, #tpu.memory_space<hbm>>
      %dma_wait3A_83 = tpu.memref_slice %arg4[%mul3A_30] : memref<320000xi32, #tpu.memory_space<hbm>> -> memref<128xi32, #tpu.memory_space<hbm>>
      tpu.wait_dma2 semaphore(%run_scoped3A : memref<!tpu.dma_semaphore, #tpu.memory_space<semaphore_mem>>) src(%dma_wait3A_83 : memref<128xi32, #tpu.memory_space<hbm>>) dst(%arg9 : memref<128xi32, #tpu.memory_space<vmem>>)
      tpu.yield
    }) : () -> ()
    %dma_start3A = arith.constant 0 : i32
    %dma_start3A_31 = arith.constant 0 : i32
    %dma_start3A_32 = tpu.memref_slice %arg2[%dma_start3A, %dma_start3A_31] : memref<10240x64xf32, #tpu.memory_space<hbm>> -> memref<10240x64xf32, #tpu.memory_space<hbm>>
    tpu.enqueue_indirect_dma source(%dma_start3A_32 : memref<10240x64xf32, #tpu.memory_space<hbm>>) target(%arg10 : memref<128x64xf32, #tpu.memory_space<vmem>>) offsets(%arg8 : memref<128xi32, #tpu.memory_space<vmem>>) semaphore(%arg21 : memref<!tpu.dma_semaphore, #tpu.memory_space<semaphore_mem>>)
    %add3A_33 = arith.constant 32 : i32
    %add3A_34 = arith.addi %add3A, %add3A_33 : i32
    %mul3A_35 = arith.constant 128 : i32
    %mul3A_36 = arith.muli %add3A_34, %mul3A_35 : i32
    %dma_start3A_37 = tpu.memref_slice %arg3[%mul3A_36] : memref<320000xi32, #tpu.memory_space<hbm>> -> memref<128xi32, #tpu.memory_space<hbm>>
    %dma_start3A_38 = tpu.memref_slice %arg3[%mul3A_36] : memref<320000xi32, #tpu.memory_space<hbm>> -> memref<128xi32, #tpu.memory_space<hbm>>
    tpu.enqueue_dma source(%dma_start3A_38 : memref<128xi32, #tpu.memory_space<hbm>>) target(%arg11 : memref<128xi32, #tpu.memory_space<vmem>>) target_semaphore(%arg19 : memref<!tpu.dma_semaphore, #tpu.memory_space<semaphore_mem>>)
    %add3A_39 = arith.constant 32 : i32
    %add3A_40 = arith.addi %add3A, %add3A_39 : i32
    %mul3A_41 = arith.constant 128 : i32
    %mul3A_42 = arith.muli %add3A_40, %mul3A_41 : i32
    %dma_start3A_43 = tpu.memref_slice %arg4[%mul3A_42] : memref<320000xi32, #tpu.memory_space<hbm>> -> memref<128xi32, #tpu.memory_space<hbm>>
    %dma_start3A_44 = tpu.memref_slice %arg4[%mul3A_42] : memref<320000xi32, #tpu.memory_space<hbm>> -> memref<128xi32, #tpu.memory_space<hbm>>
    tpu.enqueue_dma source(%dma_start3A_44 : memref<128xi32, #tpu.memory_space<hbm>>) target(%arg12 : memref<128xi32, #tpu.memory_space<vmem>>) target_semaphore(%arg20 : memref<!tpu.dma_semaphore, #tpu.memory_space<semaphore_mem>>)
    %add3A_45 = arith.constant 1 : i32
    %add3A_46 = arith.addi %add3A_22, %add3A_45 : i32
    %jit3A_47 = arith.constant 2 : i32
    %div3A_48 = arith.divsi %add3A_46, %jit3A_47 : i32
    %sign3A_49 = arith.constant 0 : i32
    %sign3A_50 = arith.cmpi sgt, %add3A_46, %sign3A_49 : i32
    %sign3A_51 = arith.extui %sign3A_50 : i1 to i32
    %sign3A_52 = arith.constant 0 : i32
    %sign3A_53 = arith.cmpi slt, %add3A_46, %sign3A_52 : i32
    %sign3A_54 = arith.extui %sign3A_53 : i1 to i32
    %sign3A_55 = arith.subi %sign3A_51, %sign3A_54 : i32
    %sign3A_56 = arith.constant 0 : i32
    %sign3A_57 = arith.cmpi sgt, %jit3A_47, %sign3A_56 : i32
    %sign3A_58 = arith.extui %sign3A_57 : i1 to i32
    %sign3A_59 = arith.constant 0 : i32
    %sign3A_60 = arith.cmpi slt, %jit3A_47, %sign3A_59 : i32
    %sign3A_61 = arith.extui %sign3A_60 : i1 to i32
    %sign3A_62 = arith.subi %sign3A_58, %sign3A_61 : i32
    %ne3A_63 = arith.cmpi ne, %sign3A_55, %sign3A_62 : i32
    %rem3A_64 = arith.remsi %add3A_46, %jit3A_47 : i32
    %ne3A_65 = arith.constant 0 : i32
    %ne3A_66 = arith.cmpi ne, %rem3A_64, %ne3A_65 : i32
    %and3A_67 = arith.andi %ne3A_63, %ne3A_66 : i1
    %sub3A_68 = arith.constant 1 : i32
    %sub3A_69 = arith.subi %div3A_48, %sub3A_68 : i32
    %select_n3A_70 = arith.select %and3A_67, %sub3A_69, %div3A_48 : i32
    %while3A = arith.constant 0 : i32
    %while3A_71 = arith.constant 0 : i32
    %while3A_72 = arith.subi %select_n3A_70, %while3A_71 : i32
    %while3A_73 = arith.addi %while3A_71, %while3A_72 : i32
    %while3A_74 = arith.constant 1 : i32
    %while3A_75 = arith.divsi %while3A_72, %while3A_74 : i32
    %while3A_76 = arith.muli %while3A_75, %while3A_74 : i32
    %while3A_77 = arith.addi %while3A_71, %while3A_76 : i32
    %while3A_78 = arith.constant 1 : i32
    scf.for %while3A_81 = %while3A_71 to %while3A_77 step %while3A_78  : i32 {
      %mul3A_82 = arith.constant 2 : i32
      %mul3A_83 = arith.muli %mul3A_82, %while3A_81 : i32
      %add3A_84 = arith.constant 1 : i32
      %add3A_85 = arith.addi %mul3A_83, %add3A_84 : i32
      %mul3A_86 = arith.constant 2 : i32
      %mul3A_87 = arith.muli %mul3A_86, %while3A_81 : i32
      %add3A_88 = arith.constant 2 : i32
      %add3A_89 = arith.addi %mul3A_87, %add3A_88 : i32
      %mul3A_90 = arith.constant 2 : i32
      %mul3A_91 = arith.muli %mul3A_90, %while3A_81 : i32
      %add3A_92 = arith.constant 3 : i32
      %add3A_93 = arith.addi %mul3A_91, %add3A_92 : i32
      %lt3A = arith.cmpi slt, %add3A_85, %add3A_22 : i32
      %convert_element_type3A = arith.extui %lt3A : i1 to i32
      %cond3A = arith.constant 0 : i32
      %cond3A_94 = arith.cmpi ne, %convert_element_type3A, %cond3A : i32
      scf.if %cond3A_94 {
        %dma_wait3A_113 = arith.constant 0 : i32
        %dma_wait3A_114 = tpu.memref_slice %arg3[%dma_wait3A_113] : memref<320000xi32, #tpu.memory_space<hbm>> -> memref<128xi32, #tpu.memory_space<hbm>>
        %dma_wait3A_115 = arith.constant 0 : i32
        %dma_wait3A_116 = tpu.memref_slice %arg3[%dma_wait3A_115] : memref<320000xi32, #tpu.memory_space<hbm>> -> memref<128xi32, #tpu.memory_space<hbm>>
        tpu.wait_dma2 semaphore(%arg19 : memref<!tpu.dma_semaphore, #tpu.memory_space<semaphore_mem>>) src(%dma_wait3A_116 : memref<128xi32, #tpu.memory_space<hbm>>) dst(%arg11 : memref<128xi32, #tpu.memory_space<vmem>>)
        %dma_start3A_117 = arith.constant 0 : i32
        %dma_start3A_118 = arith.constant 0 : i32
        %dma_start3A_119 = tpu.memref_slice %arg2[%dma_start3A_117, %dma_start3A_118] : memref<10240x64xf32, #tpu.memory_space<hbm>> -> memref<10240x64xf32, #tpu.memory_space<hbm>>
        tpu.enqueue_indirect_dma source(%dma_start3A_119 : memref<10240x64xf32, #tpu.memory_space<hbm>>) target(%arg13 : memref<128x64xf32, #tpu.memory_space<vmem>>) offsets(%arg11 : memref<128xi32, #tpu.memory_space<vmem>>) semaphore(%arg22 : memref<!tpu.dma_semaphore, #tpu.memory_space<semaphore_mem>>)
      } else {
      }
      %dma_wait3A = arith.constant 0 : i32
      %dma_wait3A_95 = arith.constant 0 : i32
      %dma_wait3A_96 = tpu.memref_slice %arg2[%dma_wait3A, %dma_wait3A_95] : memref<10240x64xf32, #tpu.memory_space<hbm>> -> memref<10240x64xf32, #tpu.memory_space<hbm>>
      tpu.wait_indirect_dma semaphore(%arg21 : memref<!tpu.dma_semaphore, #tpu.memory_space<semaphore_mem>>) src(%dma_wait3A_96 : memref<10240x64xf32, #tpu.memory_space<hbm>>) dst(%arg10 : memref<128x64xf32, #tpu.memory_space<vmem>>)
      %lt3A_97 = arith.cmpi slt, %add3A_89, %add3A_22 : i32
      %convert_element_type3A_98 = arith.extui %lt3A_97 : i1 to i32
      %cond3A_99 = arith.constant 0 : i32
      %cond3A_100 = arith.cmpi ne, %convert_element_type3A_98, %cond3A_99 : i32
      scf.if %cond3A_100 {
        %mul3A_113 = arith.constant 32 : i32
        %mul3A_114 = arith.muli %add3A_89, %mul3A_113 : i32
        %add3A_115 = arith.addi %add3A, %mul3A_114 : i32
        %mul3A_116 = arith.constant 128 : i32
        %mul3A_117 = arith.muli %add3A_115, %mul3A_116 : i32
        %dma_start3A_118 = tpu.memref_slice %arg3[%mul3A_117] : memref<320000xi32, #tpu.memory_space<hbm>> -> memref<128xi32, #tpu.memory_space<hbm>>
        %dma_start3A_119 = tpu.memref_slice %arg3[%mul3A_117] : memref<320000xi32, #tpu.memory_space<hbm>> -> memref<128xi32, #tpu.memory_space<hbm>>
        tpu.enqueue_dma source(%dma_start3A_119 : memref<128xi32, #tpu.memory_space<hbm>>) target(%arg8 : memref<128xi32, #tpu.memory_space<vmem>>) target_semaphore(%arg17 : memref<!tpu.dma_semaphore, #tpu.memory_space<semaphore_mem>>)
      } else {
      }
      %gt3A = arith.constant 0 : i32
      %gt3A_101 = arith.cmpi sgt, %while3A_81, %gt3A : i32
      %convert_element_type3A_102 = arith.extui %gt3A_101 : i1 to i32
      %cond3A_103 = arith.constant 0 : i32
      %cond3A_104 = arith.cmpi ne, %convert_element_type3A_102, %cond3A_103 : i32
      scf.if %cond3A_104 {
        %dma_wait3A_113 = arith.constant 0 : i32
        %dma_wait3A_114 = tpu.memref_slice %arg4[%dma_wait3A_113] : memref<320000xi32, #tpu.memory_space<hbm>> -> memref<128xi32, #tpu.memory_space<hbm>>
        %dma_wait3A_115 = arith.constant 0 : i32
        %dma_wait3A_116 = tpu.memref_slice %arg4[%dma_wait3A_115] : memref<320000xi32, #tpu.memory_space<hbm>> -> memref<128xi32, #tpu.memory_space<hbm>>
        tpu.wait_dma2 semaphore(%arg18 : memref<!tpu.dma_semaphore, #tpu.memory_space<semaphore_mem>>) src(%dma_wait3A_116 : memref<128xi32, #tpu.memory_space<hbm>>) dst(%arg9 : memref<128xi32, #tpu.memory_space<vmem>>)
      } else {
      }
      "tpu.region"() ({
        %run_scoped3A = tpu.sem_alloc : memref<!tpu.dma_semaphore, #tpu.memory_space<semaphore_mem>>
        %dma_start3A_113 = arith.constant 0 : i32
        %dma_start3A_114 = arith.constant 0 : i32
        %dma_start3A_115 = tpu.memref_slice %arg15[%dma_start3A_113, %dma_start3A_114] : memref<10240x64xf32, #tpu.memory_space<vmem_shared>> -> memref<10240x64xf32, #tpu.memory_space<vmem_shared>>
        tpu.enqueue_indirect_dma source(%arg10 : memref<128x64xf32, #tpu.memory_space<vmem>>) target(%dma_start3A_115 : memref<10240x64xf32, #tpu.memory_space<vmem_shared>>) offsets(%arg9 : memref<128xi32, #tpu.memory_space<vmem>>) semaphore(%run_scoped3A : memref<!tpu.dma_semaphore, #tpu.memory_space<semaphore_mem>>) {add = true}
        %dma_wait3A_116 = arith.constant 0 : i32
        %dma_wait3A_117 = arith.constant 0 : i32
        %dma_wait3A_118 = tpu.memref_slice %arg15[%dma_wait3A_116, %dma_wait3A_117] : memref<10240x64xf32, #tpu.memory_space<vmem_shared>> -> memref<10240x64xf32, #tpu.memory_space<vmem_shared>>
        tpu.wait_indirect_dma semaphore(%run_scoped3A : memref<!tpu.dma_semaphore, #tpu.memory_space<semaphore_mem>>) src(%arg10 : memref<128x64xf32, #tpu.memory_space<vmem>>) dst(%dma_wait3A_118 : memref<10240x64xf32, #tpu.memory_space<vmem_shared>>)
        tpu.yield
      }) : () -> ()
      %lt3A_105 = arith.cmpi slt, %add3A_89, %add3A_22 : i32
      %convert_element_type3A_106 = arith.extui %lt3A_105 : i1 to i32
      %cond3A_107 = arith.constant 0 : i32
      %cond3A_108 = arith.cmpi ne, %convert_element_type3A_106, %cond3A_107 : i32
      scf.if %cond3A_108 {
        %mul3A_113 = arith.constant 32 : i32
        %mul3A_114 = arith.muli %add3A_89, %mul3A_113 : i32
        %add3A_115 = arith.addi %add3A, %mul3A_114 : i32
        %mul3A_116 = arith.constant 128 : i32
        %mul3A_117 = arith.muli %add3A_115, %mul3A_116 : i32
        %dma_start3A_118 = tpu.memref_slice %arg4[%mul3A_117] : memref<320000xi32, #tpu.memory_space<hbm>> -> memref<128xi32, #tpu.memory_space<hbm>>
        %dma_start3A_119 = tpu.memref_slice %arg4[%mul3A_117] : memref<320000xi32, #tpu.memory_space<hbm>> -> memref<128xi32, #tpu.memory_space<hbm>>
        tpu.enqueue_dma source(%dma_start3A_119 : memref<128xi32, #tpu.memory_space<hbm>>) target(%arg9 : memref<128xi32, #tpu.memory_space<vmem>>) target_semaphore(%arg18 : memref<!tpu.dma_semaphore, #tpu.memory_space<semaphore_mem>>)
      } else {
      }
      %lt3A_109 = arith.cmpi slt, %add3A_85, %add3A_22 : i32
      %convert_element_type3A_110 = arith.extui %lt3A_109 : i1 to i32
      %cond3A_111 = arith.constant 0 : i32
      %cond3A_112 = arith.cmpi ne, %convert_element_type3A_110, %cond3A_111 : i32
      scf.if %cond3A_112 {
        %dma_wait3A_113 = arith.constant 0 : i32
        %dma_wait3A_114 = arith.constant 0 : i32
        %dma_wait3A_115 = tpu.memref_slice %arg2[%dma_wait3A_113, %dma_wait3A_114] : memref<10240x64xf32, #tpu.memory_space<hbm>> -> memref<10240x64xf32, #tpu.memory_space<hbm>>
        tpu.wait_indirect_dma semaphore(%arg22 : memref<!tpu.dma_semaphore, #tpu.memory_space<semaphore_mem>>) src(%dma_wait3A_115 : memref<10240x64xf32, #tpu.memory_space<hbm>>) dst(%arg13 : memref<128x64xf32, #tpu.memory_space<vmem>>)
        %lt3A_116 = arith.cmpi slt, %add3A_89, %add3A_22 : i32
        %convert_element_type3A_117 = arith.extui %lt3A_116 : i1 to i32
        %cond3A_118 = arith.constant 0 : i32
        %cond3A_119 = arith.cmpi ne, %convert_element_type3A_117, %cond3A_118 : i32
        scf.if %cond3A_119 {
          %dma_wait3A_132 = arith.constant 0 : i32
          %dma_wait3A_133 = tpu.memref_slice %arg3[%dma_wait3A_132] : memref<320000xi32, #tpu.memory_space<hbm>> -> memref<128xi32, #tpu.memory_space<hbm>>
          %dma_wait3A_134 = arith.constant 0 : i32
          %dma_wait3A_135 = tpu.memref_slice %arg3[%dma_wait3A_134] : memref<320000xi32, #tpu.memory_space<hbm>> -> memref<128xi32, #tpu.memory_space<hbm>>
          tpu.wait_dma2 semaphore(%arg17 : memref<!tpu.dma_semaphore, #tpu.memory_space<semaphore_mem>>) src(%dma_wait3A_135 : memref<128xi32, #tpu.memory_space<hbm>>) dst(%arg8 : memref<128xi32, #tpu.memory_space<vmem>>)
          %dma_start3A_136 = arith.constant 0 : i32
          %dma_start3A_137 = arith.constant 0 : i32
          %dma_start3A_138 = tpu.memref_slice %arg2[%dma_start3A_136, %dma_start3A_137] : memref<10240x64xf32, #tpu.memory_space<hbm>> -> memref<10240x64xf32, #tpu.memory_space<hbm>>
          tpu.enqueue_indirect_dma source(%dma_start3A_138 : memref<10240x64xf32, #tpu.memory_space<hbm>>) target(%arg10 : memref<128x64xf32, #tpu.memory_space<vmem>>) offsets(%arg8 : memref<128xi32, #tpu.memory_space<vmem>>) semaphore(%arg21 : memref<!tpu.dma_semaphore, #tpu.memory_space<semaphore_mem>>)
        } else {
        }
        %lt3A_120 = arith.cmpi slt, %add3A_93, %add3A_22 : i32
        %convert_element_type3A_121 = arith.extui %lt3A_120 : i1 to i32
        %cond3A_122 = arith.constant 0 : i32
        %cond3A_123 = arith.cmpi ne, %convert_element_type3A_121, %cond3A_122 : i32
        scf.if %cond3A_123 {
          %mul3A_132 = arith.constant 32 : i32
          %mul3A_133 = arith.muli %add3A_93, %mul3A_132 : i32
          %add3A_134 = arith.addi %add3A, %mul3A_133 : i32
          %mul3A_135 = arith.constant 128 : i32
          %mul3A_136 = arith.muli %add3A_134, %mul3A_135 : i32
          %dma_start3A_137 = tpu.memref_slice %arg3[%mul3A_136] : memref<320000xi32, #tpu.memory_space<hbm>> -> memref<128xi32, #tpu.memory_space<hbm>>
          %dma_start3A_138 = tpu.memref_slice %arg3[%mul3A_136] : memref<320000xi32, #tpu.memory_space<hbm>> -> memref<128xi32, #tpu.memory_space<hbm>>
          tpu.enqueue_dma source(%dma_start3A_138 : memref<128xi32, #tpu.memory_space<hbm>>) target(%arg11 : memref<128xi32, #tpu.memory_space<vmem>>) target_semaphore(%arg19 : memref<!tpu.dma_semaphore, #tpu.memory_space<semaphore_mem>>)
        } else {
        }
        %dma_wait3A_124 = arith.constant 0 : i32
        %dma_wait3A_125 = tpu.memref_slice %arg4[%dma_wait3A_124] : memref<320000xi32, #tpu.memory_space<hbm>> -> memref<128xi32, #tpu.memory_space<hbm>>
        %dma_wait3A_126 = arith.constant 0 : i32
        %dma_wait3A_127 = tpu.memref_slice %arg4[%dma_wait3A_126] : memref<320000xi32, #tpu.memory_space<hbm>> -> memref<128xi32, #tpu.memory_space<hbm>>
        tpu.wait_dma2 semaphore(%arg20 : memref<!tpu.dma_semaphore, #tpu.memory_space<semaphore_mem>>) src(%dma_wait3A_127 : memref<128xi32, #tpu.memory_space<hbm>>) dst(%arg12 : memref<128xi32, #tpu.memory_space<vmem>>)
        "tpu.region"() ({
          %run_scoped3A = tpu.sem_alloc : memref<!tpu.dma_semaphore, #tpu.memory_space<semaphore_mem>>
          %dma_start3A_132 = arith.constant 0 : i32
          %dma_start3A_133 = arith.constant 0 : i32
          %dma_start3A_134 = tpu.memref_slice %arg15[%dma_start3A_132, %dma_start3A_133] : memref<10240x64xf32, #tpu.memory_space<vmem_shared>> -> memref<10240x64xf32, #tpu.memory_space<vmem_shared>>
          tpu.enqueue_indirect_dma source(%arg13 : memref<128x64xf32, #tpu.memory_space<vmem>>) target(%dma_start3A_134 : memref<10240x64xf32, #tpu.memory_space<vmem_shared>>) offsets(%arg12 : memref<128xi32, #tpu.memory_space<vmem>>) semaphore(%run_scoped3A : memref<!tpu.dma_semaphore, #tpu.memory_space<semaphore_mem>>) {add = true}
          %dma_wait3A_135 = arith.constant 0 : i32
          %dma_wait3A_136 = arith.constant 0 : i32
          %dma_wait3A_137 = tpu.memref_slice %arg15[%dma_wait3A_135, %dma_wait3A_136] : memref<10240x64xf32, #tpu.memory_space<vmem_shared>> -> memref<10240x64xf32, #tpu.memory_space<vmem_shared>>
          tpu.wait_indirect_dma semaphore(%run_scoped3A : memref<!tpu.dma_semaphore, #tpu.memory_space<semaphore_mem>>) src(%arg13 : memref<128x64xf32, #tpu.memory_space<vmem>>) dst(%dma_wait3A_137 : memref<10240x64xf32, #tpu.memory_space<vmem_shared>>)
          tpu.yield
        }) : () -> ()
        %lt3A_128 = arith.cmpi slt, %add3A_93, %add3A_22 : i32
        %convert_element_type3A_129 = arith.extui %lt3A_128 : i1 to i32
        %cond3A_130 = arith.constant 0 : i32
        %cond3A_131 = arith.cmpi ne, %convert_element_type3A_129, %cond3A_130 : i32
        scf.if %cond3A_131 {
          %mul3A_132 = arith.constant 32 : i32
          %mul3A_133 = arith.muli %add3A_93, %mul3A_132 : i32
          %add3A_134 = arith.addi %add3A, %mul3A_133 : i32
          %mul3A_135 = arith.constant 128 : i32
          %mul3A_136 = arith.muli %add3A_134, %mul3A_135 : i32
          %dma_start3A_137 = tpu.memref_slice %arg4[%mul3A_136] : memref<320000xi32, #tpu.memory_space<hbm>> -> memref<128xi32, #tpu.memory_space<hbm>>
          %dma_start3A_138 = tpu.memref_slice %arg4[%mul3A_136] : memref<320000xi32, #tpu.memory_space<hbm>> -> memref<128xi32, #tpu.memory_space<hbm>>
          tpu.enqueue_dma source(%dma_start3A_138 : memref<128xi32, #tpu.memory_space<hbm>>) target(%arg12 : memref<128xi32, #tpu.memory_space<vmem>>) target_semaphore(%arg20 : memref<!tpu.dma_semaphore, #tpu.memory_space<semaphore_mem>>)
        } else {
        }
      } else {
      }
    }
    %while3A_79 = arith.constant 1 : i32
    scf.for %while3A_81 = %while3A_77 to %while3A_73 step %while3A_79  : i32 {
      %mul3A_82 = arith.constant 2 : i32
      %mul3A_83 = arith.muli %mul3A_82, %while3A_81 : i32
      %add3A_84 = arith.constant 1 : i32
      %add3A_85 = arith.addi %mul3A_83, %add3A_84 : i32
      %mul3A_86 = arith.constant 2 : i32
      %mul3A_87 = arith.muli %mul3A_86, %while3A_81 : i32
      %add3A_88 = arith.constant 2 : i32
      %add3A_89 = arith.addi %mul3A_87, %add3A_88 : i32
      %mul3A_90 = arith.constant 2 : i32
      %mul3A_91 = arith.muli %mul3A_90, %while3A_81 : i32
      %add3A_92 = arith.constant 3 : i32
      %add3A_93 = arith.addi %mul3A_91, %add3A_92 : i32
      %lt3A = arith.cmpi slt, %add3A_85, %add3A_22 : i32
      %convert_element_type3A = arith.extui %lt3A : i1 to i32
      %cond3A = arith.constant 0 : i32
      %cond3A_94 = arith.cmpi ne, %convert_element_type3A, %cond3A : i32
      scf.if %cond3A_94 {
        %dma_wait3A_113 = arith.constant 0 : i32
        %dma_wait3A_114 = tpu.memref_slice %arg3[%dma_wait3A_113] : memref<320000xi32, #tpu.memory_space<hbm>> -> memref<128xi32, #tpu.memory_space<hbm>>
        %dma_wait3A_115 = arith.constant 0 : i32
        %dma_wait3A_116 = tpu.memref_slice %arg3[%dma_wait3A_115] : memref<320000xi32, #tpu.memory_space<hbm>> -> memref<128xi32, #tpu.memory_space<hbm>>
        tpu.wait_dma2 semaphore(%arg19 : memref<!tpu.dma_semaphore, #tpu.memory_space<semaphore_mem>>) src(%dma_wait3A_116 : memref<128xi32, #tpu.memory_space<hbm>>) dst(%arg11 : memref<128xi32, #tpu.memory_space<vmem>>)
        %dma_start3A_117 = arith.constant 0 : i32
        %dma_start3A_118 = arith.constant 0 : i32
        %dma_start3A_119 = tpu.memref_slice %arg2[%dma_start3A_117, %dma_start3A_118] : memref<10240x64xf32, #tpu.memory_space<hbm>> -> memref<10240x64xf32, #tpu.memory_space<hbm>>
        tpu.enqueue_indirect_dma source(%dma_start3A_119 : memref<10240x64xf32, #tpu.memory_space<hbm>>) target(%arg13 : memref<128x64xf32, #tpu.memory_space<vmem>>) offsets(%arg11 : memref<128xi32, #tpu.memory_space<vmem>>) semaphore(%arg22 : memref<!tpu.dma_semaphore, #tpu.memory_space<semaphore_mem>>)
      } else {
      }
      %dma_wait3A = arith.constant 0 : i32
      %dma_wait3A_95 = arith.constant 0 : i32
      %dma_wait3A_96 = tpu.memref_slice %arg2[%dma_wait3A, %dma_wait3A_95] : memref<10240x64xf32, #tpu.memory_space<hbm>> -> memref<10240x64xf32, #tpu.memory_space<hbm>>
      tpu.wait_indirect_dma semaphore(%arg21 : memref<!tpu.dma_semaphore, #tpu.memory_space<semaphore_mem>>) src(%dma_wait3A_96 : memref<10240x64xf32, #tpu.memory_space<hbm>>) dst(%arg10 : memref<128x64xf32, #tpu.memory_space<vmem>>)
      %lt3A_97 = arith.cmpi slt, %add3A_89, %add3A_22 : i32
      %convert_element_type3A_98 = arith.extui %lt3A_97 : i1 to i32
      %cond3A_99 = arith.constant 0 : i32
      %cond3A_100 = arith.cmpi ne, %convert_element_type3A_98, %cond3A_99 : i32
      scf.if %cond3A_100 {
        %mul3A_113 = arith.constant 32 : i32
        %mul3A_114 = arith.muli %add3A_89, %mul3A_113 : i32
        %add3A_115 = arith.addi %add3A, %mul3A_114 : i32
        %mul3A_116 = arith.constant 128 : i32
        %mul3A_117 = arith.muli %add3A_115, %mul3A_116 : i32
        %dma_start3A_118 = tpu.memref_slice %arg3[%mul3A_117] : memref<320000xi32, #tpu.memory_space<hbm>> -> memref<128xi32, #tpu.memory_space<hbm>>
        %dma_start3A_119 = tpu.memref_slice %arg3[%mul3A_117] : memref<320000xi32, #tpu.memory_space<hbm>> -> memref<128xi32, #tpu.memory_space<hbm>>
        tpu.enqueue_dma source(%dma_start3A_119 : memref<128xi32, #tpu.memory_space<hbm>>) target(%arg8 : memref<128xi32, #tpu.memory_space<vmem>>) target_semaphore(%arg17 : memref<!tpu.dma_semaphore, #tpu.memory_space<semaphore_mem>>)
      } else {
      }
      %gt3A = arith.constant 0 : i32
      %gt3A_101 = arith.cmpi sgt, %while3A_81, %gt3A : i32
      %convert_element_type3A_102 = arith.extui %gt3A_101 : i1 to i32
      %cond3A_103 = arith.constant 0 : i32
      %cond3A_104 = arith.cmpi ne, %convert_element_type3A_102, %cond3A_103 : i32
      scf.if %cond3A_104 {
        %dma_wait3A_113 = arith.constant 0 : i32
        %dma_wait3A_114 = tpu.memref_slice %arg4[%dma_wait3A_113] : memref<320000xi32, #tpu.memory_space<hbm>> -> memref<128xi32, #tpu.memory_space<hbm>>
        %dma_wait3A_115 = arith.constant 0 : i32
        %dma_wait3A_116 = tpu.memref_slice %arg4[%dma_wait3A_115] : memref<320000xi32, #tpu.memory_space<hbm>> -> memref<128xi32, #tpu.memory_space<hbm>>
        tpu.wait_dma2 semaphore(%arg18 : memref<!tpu.dma_semaphore, #tpu.memory_space<semaphore_mem>>) src(%dma_wait3A_116 : memref<128xi32, #tpu.memory_space<hbm>>) dst(%arg9 : memref<128xi32, #tpu.memory_space<vmem>>)
      } else {
      }
      "tpu.region"() ({
        %run_scoped3A = tpu.sem_alloc : memref<!tpu.dma_semaphore, #tpu.memory_space<semaphore_mem>>
        %dma_start3A_113 = arith.constant 0 : i32
        %dma_start3A_114 = arith.constant 0 : i32
        %dma_start3A_115 = tpu.memref_slice %arg15[%dma_start3A_113, %dma_start3A_114] : memref<10240x64xf32, #tpu.memory_space<vmem_shared>> -> memref<10240x64xf32, #tpu.memory_space<vmem_shared>>
        tpu.enqueue_indirect_dma source(%arg10 : memref<128x64xf32, #tpu.memory_space<vmem>>) target(%dma_start3A_115 : memref<10240x64xf32, #tpu.memory_space<vmem_shared>>) offsets(%arg9 : memref<128xi32, #tpu.memory_space<vmem>>) semaphore(%run_scoped3A : memref<!tpu.dma_semaphore, #tpu.memory_space<semaphore_mem>>) {add = true}
        %dma_wait3A_116 = arith.constant 0 : i32
        %dma_wait3A_117 = arith.constant 0 : i32
        %dma_wait3A_118 = tpu.memref_slice %arg15[%dma_wait3A_116, %dma_wait3A_117] : memref<10240x64xf32, #tpu.memory_space<vmem_shared>> -> memref<10240x64xf32, #tpu.memory_space<vmem_shared>>
        tpu.wait_indirect_dma semaphore(%run_scoped3A : memref<!tpu.dma_semaphore, #tpu.memory_space<semaphore_mem>>) src(%arg10 : memref<128x64xf32, #tpu.memory_space<vmem>>) dst(%dma_wait3A_118 : memref<10240x64xf32, #tpu.memory_space<vmem_shared>>)
        tpu.yield
      }) : () -> ()
      %lt3A_105 = arith.cmpi slt, %add3A_89, %add3A_22 : i32
      %convert_element_type3A_106 = arith.extui %lt3A_105 : i1 to i32
      %cond3A_107 = arith.constant 0 : i32
      %cond3A_108 = arith.cmpi ne, %convert_element_type3A_106, %cond3A_107 : i32
      scf.if %cond3A_108 {
        %mul3A_113 = arith.constant 32 : i32
        %mul3A_114 = arith.muli %add3A_89, %mul3A_113 : i32
        %add3A_115 = arith.addi %add3A, %mul3A_114 : i32
        %mul3A_116 = arith.constant 128 : i32
        %mul3A_117 = arith.muli %add3A_115, %mul3A_116 : i32
        %dma_start3A_118 = tpu.memref_slice %arg4[%mul3A_117] : memref<320000xi32, #tpu.memory_space<hbm>> -> memref<128xi32, #tpu.memory_space<hbm>>
        %dma_start3A_119 = tpu.memref_slice %arg4[%mul3A_117] : memref<320000xi32, #tpu.memory_space<hbm>> -> memref<128xi32, #tpu.memory_space<hbm>>
        tpu.enqueue_dma source(%dma_start3A_119 : memref<128xi32, #tpu.memory_space<hbm>>) target(%arg9 : memref<128xi32, #tpu.memory_space<vmem>>) target_semaphore(%arg18 : memref<!tpu.dma_semaphore, #tpu.memory_space<semaphore_mem>>)
      } else {
      }
      %lt3A_109 = arith.cmpi slt, %add3A_85, %add3A_22 : i32
      %convert_element_type3A_110 = arith.extui %lt3A_109 : i1 to i32
      %cond3A_111 = arith.constant 0 : i32
      %cond3A_112 = arith.cmpi ne, %convert_element_type3A_110, %cond3A_111 : i32
      scf.if %cond3A_112 {
        %dma_wait3A_113 = arith.constant 0 : i32
        %dma_wait3A_114 = arith.constant 0 : i32
        %dma_wait3A_115 = tpu.memref_slice %arg2[%dma_wait3A_113, %dma_wait3A_114] : memref<10240x64xf32, #tpu.memory_space<hbm>> -> memref<10240x64xf32, #tpu.memory_space<hbm>>
        tpu.wait_indirect_dma semaphore(%arg22 : memref<!tpu.dma_semaphore, #tpu.memory_space<semaphore_mem>>) src(%dma_wait3A_115 : memref<10240x64xf32, #tpu.memory_space<hbm>>) dst(%arg13 : memref<128x64xf32, #tpu.memory_space<vmem>>)
        %lt3A_116 = arith.cmpi slt, %add3A_89, %add3A_22 : i32
        %convert_element_type3A_117 = arith.extui %lt3A_116 : i1 to i32
        %cond3A_118 = arith.constant 0 : i32
        %cond3A_119 = arith.cmpi ne, %convert_element_type3A_117, %cond3A_118 : i32
        scf.if %cond3A_119 {
          %dma_wait3A_132 = arith.constant 0 : i32
          %dma_wait3A_133 = tpu.memref_slice %arg3[%dma_wait3A_132] : memref<320000xi32, #tpu.memory_space<hbm>> -> memref<128xi32, #tpu.memory_space<hbm>>
          %dma_wait3A_134 = arith.constant 0 : i32
          %dma_wait3A_135 = tpu.memref_slice %arg3[%dma_wait3A_134] : memref<320000xi32, #tpu.memory_space<hbm>> -> memref<128xi32, #tpu.memory_space<hbm>>
          tpu.wait_dma2 semaphore(%arg17 : memref<!tpu.dma_semaphore, #tpu.memory_space<semaphore_mem>>) src(%dma_wait3A_135 : memref<128xi32, #tpu.memory_space<hbm>>) dst(%arg8 : memref<128xi32, #tpu.memory_space<vmem>>)
          %dma_start3A_136 = arith.constant 0 : i32
          %dma_start3A_137 = arith.constant 0 : i32
          %dma_start3A_138 = tpu.memref_slice %arg2[%dma_start3A_136, %dma_start3A_137] : memref<10240x64xf32, #tpu.memory_space<hbm>> -> memref<10240x64xf32, #tpu.memory_space<hbm>>
          tpu.enqueue_indirect_dma source(%dma_start3A_138 : memref<10240x64xf32, #tpu.memory_space<hbm>>) target(%arg10 : memref<128x64xf32, #tpu.memory_space<vmem>>) offsets(%arg8 : memref<128xi32, #tpu.memory_space<vmem>>) semaphore(%arg21 : memref<!tpu.dma_semaphore, #tpu.memory_space<semaphore_mem>>)
        } else {
        }
        %lt3A_120 = arith.cmpi slt, %add3A_93, %add3A_22 : i32
        %convert_element_type3A_121 = arith.extui %lt3A_120 : i1 to i32
        %cond3A_122 = arith.constant 0 : i32
        %cond3A_123 = arith.cmpi ne, %convert_element_type3A_121, %cond3A_122 : i32
        scf.if %cond3A_123 {
          %mul3A_132 = arith.constant 32 : i32
          %mul3A_133 = arith.muli %add3A_93, %mul3A_132 : i32
          %add3A_134 = arith.addi %add3A, %mul3A_133 : i32
          %mul3A_135 = arith.constant 128 : i32
          %mul3A_136 = arith.muli %add3A_134, %mul3A_135 : i32
          %dma_start3A_137 = tpu.memref_slice %arg3[%mul3A_136] : memref<320000xi32, #tpu.memory_space<hbm>> -> memref<128xi32, #tpu.memory_space<hbm>>
          %dma_start3A_138 = tpu.memref_slice %arg3[%mul3A_136] : memref<320000xi32, #tpu.memory_space<hbm>> -> memref<128xi32, #tpu.memory_space<hbm>>
          tpu.enqueue_dma source(%dma_start3A_138 : memref<128xi32, #tpu.memory_space<hbm>>) target(%arg11 : memref<128xi32, #tpu.memory_space<vmem>>) target_semaphore(%arg19 : memref<!tpu.dma_semaphore, #tpu.memory_space<semaphore_mem>>)
        } else {
        }
        %dma_wait3A_124 = arith.constant 0 : i32
        %dma_wait3A_125 = tpu.memref_slice %arg4[%dma_wait3A_124] : memref<320000xi32, #tpu.memory_space<hbm>> -> memref<128xi32, #tpu.memory_space<hbm>>
        %dma_wait3A_126 = arith.constant 0 : i32
        %dma_wait3A_127 = tpu.memref_slice %arg4[%dma_wait3A_126] : memref<320000xi32, #tpu.memory_space<hbm>> -> memref<128xi32, #tpu.memory_space<hbm>>
        tpu.wait_dma2 semaphore(%arg20 : memref<!tpu.dma_semaphore, #tpu.memory_space<semaphore_mem>>) src(%dma_wait3A_127 : memref<128xi32, #tpu.memory_space<hbm>>) dst(%arg12 : memref<128xi32, #tpu.memory_space<vmem>>)
        "tpu.region"() ({
          %run_scoped3A = tpu.sem_alloc : memref<!tpu.dma_semaphore, #tpu.memory_space<semaphore_mem>>
          %dma_start3A_132 = arith.constant 0 : i32
          %dma_start3A_133 = arith.constant 0 : i32
          %dma_start3A_134 = tpu.memref_slice %arg15[%dma_start3A_132, %dma_start3A_133] : memref<10240x64xf32, #tpu.memory_space<vmem_shared>> -> memref<10240x64xf32, #tpu.memory_space<vmem_shared>>
          tpu.enqueue_indirect_dma source(%arg13 : memref<128x64xf32, #tpu.memory_space<vmem>>) target(%dma_start3A_134 : memref<10240x64xf32, #tpu.memory_space<vmem_shared>>) offsets(%arg12 : memref<128xi32, #tpu.memory_space<vmem>>) semaphore(%run_scoped3A : memref<!tpu.dma_semaphore, #tpu.memory_space<semaphore_mem>>) {add = true}
          %dma_wait3A_135 = arith.constant 0 : i32
          %dma_wait3A_136 = arith.constant 0 : i32
          %dma_wait3A_137 = tpu.memref_slice %arg15[%dma_wait3A_135, %dma_wait3A_136] : memref<10240x64xf32, #tpu.memory_space<vmem_shared>> -> memref<10240x64xf32, #tpu.memory_space<vmem_shared>>
          tpu.wait_indirect_dma semaphore(%run_scoped3A : memref<!tpu.dma_semaphore, #tpu.memory_space<semaphore_mem>>) src(%arg13 : memref<128x64xf32, #tpu.memory_space<vmem>>) dst(%dma_wait3A_137 : memref<10240x64xf32, #tpu.memory_space<vmem_shared>>)
          tpu.yield
        }) : () -> ()
        %lt3A_128 = arith.cmpi slt, %add3A_93, %add3A_22 : i32
        %convert_element_type3A_129 = arith.extui %lt3A_128 : i1 to i32
        %cond3A_130 = arith.constant 0 : i32
        %cond3A_131 = arith.cmpi ne, %convert_element_type3A_129, %cond3A_130 : i32
        scf.if %cond3A_131 {
          %mul3A_132 = arith.constant 32 : i32
          %mul3A_133 = arith.muli %add3A_93, %mul3A_132 : i32
          %add3A_134 = arith.addi %add3A, %mul3A_133 : i32
          %mul3A_135 = arith.constant 128 : i32
          %mul3A_136 = arith.muli %add3A_134, %mul3A_135 : i32
          %dma_start3A_137 = tpu.memref_slice %arg4[%mul3A_136] : memref<320000xi32, #tpu.memory_space<hbm>> -> memref<128xi32, #tpu.memory_space<hbm>>
          %dma_start3A_138 = tpu.memref_slice %arg4[%mul3A_136] : memref<320000xi32, #tpu.memory_space<hbm>> -> memref<128xi32, #tpu.memory_space<hbm>>
          tpu.enqueue_dma source(%dma_start3A_138 : memref<128xi32, #tpu.memory_space<hbm>>) target(%arg12 : memref<128xi32, #tpu.memory_space<vmem>>) target_semaphore(%arg20 : memref<!tpu.dma_semaphore, #tpu.memory_space<semaphore_mem>>)
        } else {
        }
      } else {
      }
    }
    %barrier3A_80 = arith.constant 0 : index
    tpu.barrier barrier_id(%barrier3A_80)
    "tpu.region"() ({
      %run_scoped3A = tpu.sem_alloc : memref<!tpu.dma_semaphore, #tpu.memory_space<semaphore_mem>>
      %dma_start3A_81 = arith.constant 0 : i32
      %dma_start3A_82 = tpu.memref_slice %arg7[%arg0, %mul3A_2, %dma_start3A_81] : memref<2x10240x64xf32, #tpu.memory_space<hbm>> -> memref<1x640x64xf32, #tpu.memory_space<hbm>>
      %dma_start3A_83 = tpu.memref_squeeze %dma_start3A_82 : memref<1x640x64xf32, #tpu.memory_space<hbm>> -> memref<640x64xf32, #tpu.memory_space<hbm>>
      %dma_start3A_84 = arith.constant 0 : i32
      %dma_start3A_85 = tpu.memref_slice %arg15[%mul3A_2, %dma_start3A_84] : memref<10240x64xf32, #tpu.memory_space<vmem_shared>> -> memref<640x64xf32, #tpu.memory_space<vmem_shared>>
      tpu.enqueue_dma source(%dma_start3A_85 : memref<640x64xf32, #tpu.memory_space<vmem_shared>>) target(%dma_start3A_83 : memref<640x64xf32, #tpu.memory_space<hbm>>) target_semaphore(%run_scoped3A : memref<!tpu.dma_semaphore, #tpu.memory_space<semaphore_mem>>)
      %dma_wait3A = arith.constant 0 : i32
      %dma_wait3A_86 = tpu.memref_slice %arg7[%arg0, %mul3A_2, %dma_wait3A] : memref<2x10240x64xf32, #tpu.memory_space<hbm>> -> memref<1x640x64xf32, #tpu.memory_space<hbm>>
      %dma_wait3A_87 = tpu.memref_squeeze %dma_wait3A_86 : memref<1x640x64xf32, #tpu.memory_space<hbm>> -> memref<640x64xf32, #tpu.memory_space<hbm>>
      %dma_wait3A_88 = arith.constant 0 : i32
      %dma_wait3A_89 = tpu.memref_slice %arg15[%mul3A_2, %dma_wait3A_88] : memref<10240x64xf32, #tpu.memory_space<vmem_shared>> -> memref<640x64xf32, #tpu.memory_space<vmem_shared>>
      tpu.wait_dma2 semaphore(%run_scoped3A : memref<!tpu.dma_semaphore, #tpu.memory_space<semaphore_mem>>) src(%dma_wait3A_89 : memref<640x64xf32, #tpu.memory_space<vmem_shared>>) dst(%dma_wait3A_87 : memref<640x64xf32, #tpu.memory_space<hbm>>)
      tpu.yield
    }) : () -> ()
    return
  }
}

module attributes {stable_mosaic.version = 14 : i64} {
  func.func @_dense1_body(%arg0: i32, %arg1: memref<512x128xf32, #tpu.memory_space<vmem>>, %arg2: memref<2x512x128xf32, #tpu.memory_space<vmem>>, %arg3: memref<2x512xf32, #tpu.memory_space<vmem>>, %arg4: memref<128x128xf32, #tpu.memory_space<vmem>>, %arg5: memref<128x128xf32, #tpu.memory_space<vmem>>, %arg6: memref<1x128xf32, #tpu.memory_space<vmem>>, %arg7: memref<128x64xf32, #tpu.memory_space<vmem>>, %arg8: memref<128x64xf32, #tpu.memory_space<vmem>>, %arg9: memref<1x64xf32, #tpu.memory_space<vmem>>, %arg10: memref<512x64xf32, #tpu.memory_space<vmem>>, %arg11: memref<512x64xf32, #tpu.memory_space<vmem>>) attributes {dimension_semantics = [#tpu.dimension_semantics<arbitrary>], iteration_bounds = array<i64: 20>, scalar_prefetch = 0 : i64, scratch_operands = 0 : i64, tpu.core_type = #tpu.core_type<tc>, window_params = [{transform_indices = @transform_0, window_bounds = array<i64: 512, 128>}, {transform_indices = @transform_1, window_bounds = array<i64: 2, 512, 128>}, {transform_indices = @transform_2, window_bounds = array<i64: 2, 512>}, {pipeline_mode = #tpu.pipeline_mode<synchronous>, transform_indices = @transform_3, window_bounds = array<i64: 128, 128>}, {pipeline_mode = #tpu.pipeline_mode<synchronous>, transform_indices = @transform_4, window_bounds = array<i64: 128, 128>}, {pipeline_mode = #tpu.pipeline_mode<synchronous>, transform_indices = @transform_5, window_bounds = array<i64: 1, 128>}, {pipeline_mode = #tpu.pipeline_mode<synchronous>, transform_indices = @transform_6, window_bounds = array<i64: 128, 64>}, {pipeline_mode = #tpu.pipeline_mode<synchronous>, transform_indices = @transform_7, window_bounds = array<i64: 128, 64>}, {pipeline_mode = #tpu.pipeline_mode<synchronous>, transform_indices = @transform_8, window_bounds = array<i64: 1, 64>}, {transform_indices = @transform_9, window_bounds = array<i64: 512, 64>}, {transform_indices = @transform_10, window_bounds = array<i64: 512, 64>}]} {
    %get3A = arith.constant 0 : index
    %get3A_0 = arith.constant 0 : index
    %get3A_1 = arith.constant 0 : index
    %get3A_2 = vector.load %arg2[%get3A, %get3A_0, %get3A_1] : memref<2x512x128xf32, #tpu.memory_space<vmem>>, vector<1x512x128xf32>
    %get3A_3 = vector.shape_cast %get3A_2 : vector<1x512x128xf32> to vector<512x128xf32>
    %get3A_4 = arith.constant 1 : index
    %get3A_5 = arith.constant 0 : index
    %get3A_6 = arith.constant 0 : index
    %get3A_7 = vector.load %arg2[%get3A_4, %get3A_5, %get3A_6] : memref<2x512x128xf32, #tpu.memory_space<vmem>>, vector<1x512x128xf32>
    %get3A_8 = vector.shape_cast %get3A_7 : vector<1x512x128xf32> to vector<512x128xf32>
    %add3A = arith.addf %get3A_3, %get3A_8 : vector<512x128xf32>
    %get3A_9 = arith.constant 0 : index
    %get3A_10 = arith.constant 0 : index
    %get3A_11 = vector.load %arg3[%get3A_9, %get3A_10] : memref<2x512xf32, #tpu.memory_space<vmem>>, vector<1x512xf32>
    %get3A_12 = vector.shape_cast %get3A_11 : vector<1x512xf32> to vector<512xf32>
    %get3A_13 = arith.constant 1 : index
    %get3A_14 = arith.constant 0 : index
    %get3A_15 = vector.load %arg3[%get3A_13, %get3A_14] : memref<2x512xf32, #tpu.memory_space<vmem>>, vector<1x512xf32>
    %get3A_16 = vector.shape_cast %get3A_15 : vector<1x512xf32> to vector<512xf32>
    %add3A_17 = arith.addf %get3A_12, %get3A_16 : vector<512xf32>
    %max3A = arith.constant 1.000000e+00 : f32
    %max3A_18 = vector.broadcast %max3A : f32 to vector<512xf32>
    %max3A_19 = arith.maximumf %add3A_17, %max3A_18 : vector<512xf32>
    %div3A = arith.constant 1.000000e+00 : f32
    %div3A_20 = vector.broadcast %div3A : f32 to vector<512xf32>
    %div3A_21 = arith.divf %div3A_20, %max3A_19 : vector<512xf32>
    %broadcast_in_dim3A = vector.shape_cast %div3A_21 : vector<512xf32> to vector<512x1xf32>
    %mul3A = vector.broadcast %broadcast_in_dim3A : vector<512x1xf32> to vector<512x128xf32>
    %mul3A_22 = arith.mulf %add3A, %mul3A : vector<512x128xf32>
    %get3A_23 = arith.constant 0 : index
    %get3A_24 = arith.constant 0 : index
    %get3A_25 = vector.load %arg1[%get3A_23, %get3A_24] : memref<512x128xf32, #tpu.memory_space<vmem>>, vector<512x128xf32>
    %get3A_26 = arith.constant 0 : index
    %get3A_27 = arith.constant 0 : index
    %get3A_28 = vector.load %arg4[%get3A_26, %get3A_27] : memref<128x128xf32, #tpu.memory_space<vmem>>, vector<128x128xf32>
    %dot_general3A = arith.constant dense<0.000000e+00> : vector<512x128xf32>
    %dot_general3A_29 = tpu.matmul %get3A_25, %get3A_28, %dot_general3A {dimension_numbers = #tpu.dot_dimension_numbers<[1], [0], [0], [1], [0, 0, 1, 1], [], []>, transpose_lhs_hint = false} : vector<512x128xf32>, vector<128x128xf32>, vector<512x128xf32> -> vector<512x128xf32>
    %get3A_30 = arith.constant 0 : index
    %get3A_31 = arith.constant 0 : index
    %get3A_32 = vector.load %arg5[%get3A_30, %get3A_31] : memref<128x128xf32, #tpu.memory_space<vmem>>, vector<128x128xf32>
    %dot_general3A_33 = arith.constant dense<0.000000e+00> : vector<512x128xf32>
    %dot_general3A_34 = tpu.matmul %mul3A_22, %get3A_32, %dot_general3A_33 {dimension_numbers = #tpu.dot_dimension_numbers<[1], [0], [0], [1], [0, 0, 1, 1], [], []>, transpose_lhs_hint = false} : vector<512x128xf32>, vector<128x128xf32>, vector<512x128xf32> -> vector<512x128xf32>
    %add3A_35 = arith.addf %dot_general3A_29, %dot_general3A_34 : vector<512x128xf32>
    %get3A_36 = arith.constant 0 : index
    %get3A_37 = arith.constant 0 : index
    %get3A_38 = vector.load %arg6[%get3A_36, %get3A_37] : memref<1x128xf32, #tpu.memory_space<vmem>>, vector<1x128xf32>
    %add3A_39 = vector.broadcast %get3A_38 : vector<1x128xf32> to vector<512x128xf32>
    %add3A_40 = arith.addf %add3A_35, %add3A_39 : vector<512x128xf32>
    %max3A_41 = arith.constant 0.000000e+00 : f32
    %max3A_42 = vector.broadcast %max3A_41 : f32 to vector<512x128xf32>
    %max3A_43 = arith.maximumf %add3A_40, %max3A_42 : vector<512x128xf32>
    %get3A_44 = arith.constant 0 : index
    %get3A_45 = arith.constant 0 : index
    %get3A_46 = vector.load %arg8[%get3A_44, %get3A_45] : memref<128x64xf32, #tpu.memory_space<vmem>>, vector<128x64xf32>
    %dot_general3A_47 = arith.constant dense<0.000000e+00> : vector<512x64xf32>
    %dot_general3A_48 = tpu.matmul %max3A_43, %get3A_46, %dot_general3A_47 {dimension_numbers = #tpu.dot_dimension_numbers<[1], [0], [0], [1], [0, 0, 1, 1], [], []>, transpose_lhs_hint = false} : vector<512x128xf32>, vector<128x64xf32>, vector<512x64xf32> -> vector<512x64xf32>
    %swap3A = arith.constant 0 : index
    %swap3A_49 = arith.constant 0 : index
    %swap3A_50 = vector.load %arg10[%swap3A, %swap3A_49] : memref<512x64xf32, #tpu.memory_space<vmem>>, vector<512x64xf32>
    tpu.vector_store %arg10[%swap3A, %swap3A_49], %dot_general3A_48 {strides = array<i32>} : memref<512x64xf32, #tpu.memory_space<vmem>>, vector<512x64xf32>,
    %get3A_51 = arith.constant 0 : index
    %get3A_52 = arith.constant 0 : index
    %get3A_53 = vector.load %arg7[%get3A_51, %get3A_52] : memref<128x64xf32, #tpu.memory_space<vmem>>, vector<128x64xf32>
    %dot_general3A_54 = arith.constant dense<0.000000e+00> : vector<512x64xf32>
    %dot_general3A_55 = tpu.matmul %max3A_43, %get3A_53, %dot_general3A_54 {dimension_numbers = #tpu.dot_dimension_numbers<[1], [0], [0], [1], [0, 0, 1, 1], [], []>, transpose_lhs_hint = false} : vector<512x128xf32>, vector<128x64xf32>, vector<512x64xf32> -> vector<512x64xf32>
    %get3A_56 = arith.constant 0 : index
    %get3A_57 = arith.constant 0 : index
    %get3A_58 = vector.load %arg9[%get3A_56, %get3A_57] : memref<1x64xf32, #tpu.memory_space<vmem>>, vector<1x64xf32>
    %add3A_59 = vector.broadcast %get3A_58 : vector<1x64xf32> to vector<512x64xf32>
    %add3A_60 = arith.addf %dot_general3A_55, %add3A_59 : vector<512x64xf32>
    %swap3A_61 = arith.constant 0 : index
    %swap3A_62 = arith.constant 0 : index
    %swap3A_63 = vector.load %arg11[%swap3A_61, %swap3A_62] : memref<512x64xf32, #tpu.memory_space<vmem>>, vector<512x64xf32>
    tpu.vector_store %arg11[%swap3A_61, %swap3A_62], %add3A_60 {strides = array<i32>} : memref<512x64xf32, #tpu.memory_space<vmem>>, vector<512x64xf32>,
    return
  }
  func.func @transform_0(%arg0: i32) -> (i32, i32) {
    %c0_i32 = arith.constant 0 : i32
    %c0_i32_0 = arith.constant 0 : i32
    return %arg0, %c0_i32 : i32, i32
  }
  func.func @transform_1(%arg0: i32) -> (i32, i32, i32) {
    %c0_i32 = arith.constant 0 : i32
    %c0_i32_0 = arith.constant 0 : i32
    %c0_i32_1 = arith.constant 0 : i32
    return %c0_i32, %arg0, %c0_i32_0 : i32, i32, i32
  }
  func.func @transform_2(%arg0: i32) -> (i32, i32) {
    %c0_i32 = arith.constant 0 : i32
    %c0_i32_0 = arith.constant 0 : i32
    return %c0_i32, %arg0 : i32, i32
  }
  func.func @transform_3(%arg0: i32) -> (i32, i32) {
    %c0_i32 = arith.constant 0 : i32
    %c0_i32_0 = arith.constant 0 : i32
    %c0_i32_1 = arith.constant 0 : i32
    return %c0_i32, %c0_i32_0 : i32, i32
  }
  func.func @transform_4(%arg0: i32) -> (i32, i32) {
    %c0_i32 = arith.constant 0 : i32
    %c0_i32_0 = arith.constant 0 : i32
    %c0_i32_1 = arith.constant 0 : i32
    return %c0_i32, %c0_i32_0 : i32, i32
  }
  func.func @transform_5(%arg0: i32) -> (i32, i32) {
    %c0_i32 = arith.constant 0 : i32
    %c0_i32_0 = arith.constant 0 : i32
    %c0_i32_1 = arith.constant 0 : i32
    return %c0_i32, %c0_i32_0 : i32, i32
  }
  func.func @transform_6(%arg0: i32) -> (i32, i32) {
    %c0_i32 = arith.constant 0 : i32
    %c0_i32_0 = arith.constant 0 : i32
    %c0_i32_1 = arith.constant 0 : i32
    return %c0_i32, %c0_i32_0 : i32, i32
  }
  func.func @transform_7(%arg0: i32) -> (i32, i32) {
    %c0_i32 = arith.constant 0 : i32
    %c0_i32_0 = arith.constant 0 : i32
    %c0_i32_1 = arith.constant 0 : i32
    return %c0_i32, %c0_i32_0 : i32, i32
  }
  func.func @transform_8(%arg0: i32) -> (i32, i32) {
    %c0_i32 = arith.constant 0 : i32
    %c0_i32_0 = arith.constant 0 : i32
    %c0_i32_1 = arith.constant 0 : i32
    return %c0_i32, %c0_i32_0 : i32, i32
  }
  func.func @transform_9(%arg0: i32) -> (i32, i32) {
    %c0_i32 = arith.constant 0 : i32
    %c0_i32_0 = arith.constant 0 : i32
    return %arg0, %c0_i32 : i32, i32
  }
  func.func @transform_10(%arg0: i32) -> (i32, i32) {
    %c0_i32 = arith.constant 0 : i32
    %c0_i32_0 = arith.constant 0 : i32
    return %arg0, %c0_i32 : i32, i32
  }
}

module attributes {stable_mosaic.version = 14 : i64} {
  func.func @_dense2_body(%arg0: i32, %arg1: memref<512x64xf32, #tpu.memory_space<vmem>>, %arg2: memref<2x512x64xf32, #tpu.memory_space<vmem>>, %arg3: memref<2x512xf32, #tpu.memory_space<vmem>>, %arg4: memref<512x64xf32, #tpu.memory_space<vmem>>) attributes {dimension_semantics = [#tpu.dimension_semantics<arbitrary>], iteration_bounds = array<i64: 20>, scalar_prefetch = 0 : i64, scratch_operands = 0 : i64, tpu.core_type = #tpu.core_type<tc>, window_params = [{transform_indices = @transform_0, window_bounds = array<i64: 512, 64>}, {transform_indices = @transform_1, window_bounds = array<i64: 2, 512, 64>}, {transform_indices = @transform_2, window_bounds = array<i64: 2, 512>}, {transform_indices = @transform_3, window_bounds = array<i64: 512, 64>}]} {
    %get3A = arith.constant 0 : index
    %get3A_0 = arith.constant 0 : index
    %get3A_1 = arith.constant 0 : index
    %get3A_2 = vector.load %arg2[%get3A, %get3A_0, %get3A_1] : memref<2x512x64xf32, #tpu.memory_space<vmem>>, vector<1x512x64xf32>
    %get3A_3 = vector.shape_cast %get3A_2 : vector<1x512x64xf32> to vector<512x64xf32>
    %get3A_4 = arith.constant 1 : index
    %get3A_5 = arith.constant 0 : index
    %get3A_6 = arith.constant 0 : index
    %get3A_7 = vector.load %arg2[%get3A_4, %get3A_5, %get3A_6] : memref<2x512x64xf32, #tpu.memory_space<vmem>>, vector<1x512x64xf32>
    %get3A_8 = vector.shape_cast %get3A_7 : vector<1x512x64xf32> to vector<512x64xf32>
    %add3A = arith.addf %get3A_3, %get3A_8 : vector<512x64xf32>
    %get3A_9 = arith.constant 0 : index
    %get3A_10 = arith.constant 0 : index
    %get3A_11 = vector.load %arg3[%get3A_9, %get3A_10] : memref<2x512xf32, #tpu.memory_space<vmem>>, vector<1x512xf32>
    %get3A_12 = vector.shape_cast %get3A_11 : vector<1x512xf32> to vector<512xf32>
    %get3A_13 = arith.constant 1 : index
    %get3A_14 = arith.constant 0 : index
    %get3A_15 = vector.load %arg3[%get3A_13, %get3A_14] : memref<2x512xf32, #tpu.memory_space<vmem>>, vector<1x512xf32>
    %get3A_16 = vector.shape_cast %get3A_15 : vector<1x512xf32> to vector<512xf32>
    %add3A_17 = arith.addf %get3A_12, %get3A_16 : vector<512xf32>
    %max3A = arith.constant 1.000000e+00 : f32
    %max3A_18 = vector.broadcast %max3A : f32 to vector<512xf32>
    %max3A_19 = arith.maximumf %add3A_17, %max3A_18 : vector<512xf32>
    %div3A = arith.constant 1.000000e+00 : f32
    %div3A_20 = vector.broadcast %div3A : f32 to vector<512xf32>
    %div3A_21 = arith.divf %div3A_20, %max3A_19 : vector<512xf32>
    %get3A_22 = arith.constant 0 : index
    %get3A_23 = arith.constant 0 : index
    %get3A_24 = vector.load %arg1[%get3A_22, %get3A_23] : memref<512x64xf32, #tpu.memory_space<vmem>>, vector<512x64xf32>
    %broadcast_in_dim3A = vector.shape_cast %div3A_21 : vector<512xf32> to vector<512x1xf32>
    %mul3A = vector.broadcast %broadcast_in_dim3A : vector<512x1xf32> to vector<512x64xf32>
    %mul3A_25 = arith.mulf %add3A, %mul3A : vector<512x64xf32>
    %add3A_26 = arith.addf %get3A_24, %mul3A_25 : vector<512x64xf32>
    %swap3A = arith.constant 0 : index
    %swap3A_27 = arith.constant 0 : index
    %swap3A_28 = vector.load %arg4[%swap3A, %swap3A_27] : memref<512x64xf32, #tpu.memory_space<vmem>>, vector<512x64xf32>
    tpu.vector_store %arg4[%swap3A, %swap3A_27], %add3A_26 {strides = array<i32>} : memref<512x64xf32, #tpu.memory_space<vmem>>, vector<512x64xf32>,
    return
  }
  func.func @transform_0(%arg0: i32) -> (i32, i32) {
    %c0_i32 = arith.constant 0 : i32
    %c0_i32_0 = arith.constant 0 : i32
    return %arg0, %c0_i32 : i32, i32
  }
  func.func @transform_1(%arg0: i32) -> (i32, i32, i32) {
    %c0_i32 = arith.constant 0 : i32
    %c0_i32_0 = arith.constant 0 : i32
    %c0_i32_1 = arith.constant 0 : i32
    return %c0_i32, %arg0, %c0_i32_0 : i32, i32, i32
  }
  func.func @transform_2(%arg0: i32) -> (i32, i32) {
    %c0_i32 = arith.constant 0 : i32
    %c0_i32_0 = arith.constant 0 : i32
    return %c0_i32, %arg0 : i32, i32
  }
  func.func @transform_3(%arg0: i32) -> (i32, i32) {
    %c0_i32 = arith.constant 0 : i32
    %c0_i32_0 = arith.constant 0 : i32
    return %arg0, %c0_i32 : i32, i32
  }
}

</mosaic_0001>

<sc_bundles>
// kernel: kernel.6.cloned.1.call-start
scs
__scs_entry_jumppad:
0x0: {  	(pc) =	sbr.rel $0x88, $3  }
0x1: {  	(tag) =	ssettag $0x0;
	lr =	simm.s32 $0x1  }
0x2: {  	[smem:$0x3F99] =	sst lr;
	_ =	strace $0xD0000000  }
0x3: {  	_ = 	snop  }
0x4: {  	_ = 	snop  }
0x5: {  	_ = 	snop  }
0x6: {  	_ = 	snop  }
0x7: {  	_ = 	snop  }
__scs_overlays_trampoline_lowered:
0x8: {  	[smem:$0x3FA8] =	sst s0  }
0x9: {  	[smem:$0x3FA9] =	sst s1  }
0xa: {  	[smem:$0x3FAA] =	sst s2  }
0xb: {  	[smem:$0x3FAB] =	sst s3  }
0xc: {  	[smem:$0x3FAC] =	sst s4  }
0xd: {  	[smem:$0x3FAD] =	sst s5  }
0xe: {  	[smem:$0x3FAE] =	sst s6  }
0xf: {  	[smem:$0x3FAF] =	sst s7  }
0x10: {  	[smem:$0x3FB0] =	sst s8  }
0x11: {  	[smem:$0x3FB1] =	sst s9;
	s0 =	simm.s32 @!p0 $0x0  }
0x12: {  	s1 =	sld [smem:$0x3F97];
	s0 =	simm.s32 @p0 $0x1  }
0x13: {  	[smem:$0x3FB2] =	sst s0;
	s0 =	simm.s32 @!p1 $0x0  }
0x14: {  	s2 =	sld [smem:$0x3F96];
	s0 =	simm.s32 @p1 $0x1  }
0x15: {  	[smem:$0x3FB3] =	sst s0;
	s0 =	simm.s32 @!p2 $0x0  }
0x16: {  	s3 =	sld [smem:$0x3FDB];
	s0 =	simm.s32 @p2 $0x1  }
0x17: {  	s4 =	simm.s32 $0x1BF5;
	[smem:$0x3FB5] =	sst s0  }
0x18: {  	s0 =	sld [smem:$0x3F98];
	_ =	swait.ge [sflag:s4], $0x0  }
0x19: {  	s7 =	sld [smem:$0x3F99]  }
0x1a: {  	s8 =	sadd.s32 $0xFFFFE003, lr  }
0x1b: {  	s9 =	sadd.s32 $0xFFFFFEF7, lr;
	s5 =	simm.s32 $0xFFFFFFFF;
	p2 =	slt.u32 s8, $0xFFFFF086  }
0x1c: {  	p1 =	slt.u32 s9, $0xF7A;
	s5 =	simm.s32 @!p2 $0x0  }
0x1d: {  	s5 =	simm.s32 @p1 $0x1;
	p0 =	seq.s32 s7, s2  }
0x1e: {  	s7 =	smul.u32 @!p0 $0xF7A, s2;
	p2 =	seq.s32 @!p0 s5, $0x0  }
0x1f: {  	s9 =	smul.u32 $0xF7A, s1;
	s8 =	simm.s32 @!p0 $0x1BF5;
	p2 =	por !p2, p0  }
0x20: {  	[sflag:s8] =	ssyncset.s32 @!p0 $0xFFFFF086;
	s6 =	sadd.s32 @!p0 s3, s7;
	s7 =	simm.s32 @!p0 $0x108  }
0x21: {  	s3 =	sadd.s32 s3, s9;
	s6 =	sadd.s32 @!p0 $0x88, s6;
	s7 =	simm.s32 @p2 $0x1082  }
0x22: {  	[simem:s7], [sflag:s8] =	dma.local @!p0 [hbm:s6], $0xF7A  }
0x23: {  	s9 =	sor.u32 $0xD0000000, s2;
	s6 =	simm.s32 $0x108;
	_ =	swait.ge @!p0 [sflag:s8], $0x0  }
0x24: {  	s3 =	sadd.s32 $0x88, s3;
	s6 =	simm.s32 @!p1 $0x1082;
	[sflag:s4] =	ssyncset.s32 $0xFFFFF086  }
0x25: {  	[simem:s6], [sflag:s4] =	dma.local [hbm:s3], $0xF7A  }
0x26: {  	[smem:$0x3F99] =	sst s1;
	(tag) =	ssettag s2;
	_ =	strace s9  }
0x27: {  	s1 =	sld [smem:$0x3FA9]  }
0x28: {  	s2 =	sld [smem:$0x3FAA]  }
0x29: {  	s4 =	sld [smem:$0x3FAC]  }
0x2a: {  	p0 =	seq.s32 s5, $0x0;
	s5 =	sld [smem:$0x3FAD]  }
0x2b: {  	s6 =	sld [smem:$0x3FAE]  }
0x2c: {  	s7 =	sld [smem:$0x3FAF]  }
0x2d: {  	s3 =	simm.s32 $0x108;
	s8 =	sld [smem:$0x3FB0]  }
0x2e: {  	s3 =	simm.s32 @!p0 $0x1082;
	s9 =	sld [smem:$0x3FB1]  }
0x2f: {  	lr =	sadd.s32 s0, s3;
	s0 =	sld [smem:$0x3FA8]  }
0x30: {  	s3 =	sld [smem:$0x3FAB]  }
0x31: {  	[smem:$0x3FB4] =	sst s10  }
0x32: {  	s10 =	sld [smem:$0x3FB2];
	_ =	sdelay $0x3  }
0x33: {  	p0 =	seq.s32 s10, $0x1;
	s10 =	sld [smem:$0x3FB4];
	_ =	sdelay $0x3  }
0x34: {  	[smem:$0x3FB4] =	sst s10  }
0x35: {  	s10 =	sld [smem:$0x3FB3];
	_ =	sdelay $0x3  }
0x36: {  	p1 =	seq.s32 s10, $0x1;
	s10 =	sld [smem:$0x3FB4];
	_ =	sdelay $0x3  }
0x37: {  	[smem:$0x3FB4] =	sst s10  }
0x38: {  	s10 =	sld [smem:$0x3FB5]  }
0x39: {  	_ = 	snop;
	(pc) =	sbr.ind lr, $3  }
0x3a: {  	_ = 	snop  }
0x3b: {  	_ = 	snop  }
0x3c: {  	p2 =	seq.s32 s10, $0x1;
	s10 =	sld [smem:$0x3FB4]  }
0x3d: {  	_ =	shalt  }
0x3e: {  	_ =	shalt  }
0x3f: {  	_ =	shalt  }
0x40: {  	_ =	shalt  }
0x41: {  	_ =	shalt  }
0x42: {  	_ =	shalt  }
0x43: {  	_ =	shalt  }
0x44: {  	_ =	shalt  }
0x45: {  	_ =	shalt  }
0x46: {  	_ =	shalt  }
0x47: {  	_ =	shalt  }
0x48: {  	_ =	shalt  }
0x49: {  	_ =	shalt  }
0x4a: {  	_ =	shalt  }
0x4b: {  	_ =	shalt  }
0x4c: {  	_ =	shalt  }
0x4d: {  	_ =	shalt  }
0x4e: {  	_ =	shalt  }
0x4f: {  	_ =	shalt  }
0x50: {  	_ =	shalt  }
0x51: {  	_ =	shalt  }
0x52: {  	_ =	shalt  }
0x53: {  	_ =	shalt  }
0x54: {  	_ =	shalt  }
0x55: {  	_ =	shalt  }
0x56: {  	_ =	shalt  }
0x57: {  	_ =	shalt  }
0x58: {  	_ =	shalt  }
0x59: {  	_ =	shalt  }
0x5a: {  	_ =	shalt  }
0x5b: {  	_ =	shalt  }
0x5c: {  	_ =	shalt  }
0x5d: {  	_ =	shalt  }
0x5e: {  	_ =	shalt  }
0x5f: {  	_ =	shalt  }
0x60: {  	_ =	shalt  }
0x61: {  	_ =	shalt  }
0x62: {  	_ =	shalt  }
0x63: {  	_ =	shalt  }
0x64: {  	_ =	shalt  }
0x65: {  	_ =	shalt  }
0x66: {  	_ =	shalt  }
0x67: {  	_ =	shalt  }
0x68: {  	_ =	shalt  }
0x69: {  	_ =	shalt  }
0x6a: {  	_ =	shalt  }
0x6b: {  	_ =	shalt  }
0x6c: {  	_ =	shalt  }
0x6d: {  	_ =	shalt  }
0x6e: {  	_ =	shalt  }
0x6f: {  	_ =	shalt  }
0x70: {  	_ =	shalt  }
0x71: {  	_ =	shalt  }
0x72: {  	_ =	shalt  }
0x73: {  	_ =	shalt  }
0x74: {  	_ =	shalt  }
0x75: {  	_ =	shalt  }
0x76: {  	_ =	shalt  }
0x77: {  	_ =	shalt  }
0x78: {  	_ =	shalt  }
0x79: {  	_ =	shalt  }
0x7a: {  	_ =	shalt  }
0x7b: {  	_ =	shalt  }
0x7c: {  	_ =	shalt  }
0x7d: {  	_ =	shalt  }
0x7e: {  	_ =	shalt  }
0x7f: {  	_ =	shalt  }
0x80: {  	_ =	shalt  }
0x81: {  	_ =	shalt  }
0x82: {  	_ =	shalt  }
0x83: {  	_ =	shalt  }
0x84: {  	_ =	shalt  }
0x85: {  	_ =	shalt  }
0x86: {  	_ =	shalt  }
0x87: {  	_ =	shalt  }
.Lfunc_end0:
.L_simem_size_0:
called_computation_lowered:
.L_overlay_start_0:
0x88: {  	s2 =	sld [smem:$0x3FD9]  }
0x89: {  	s3 =	sld [smem:$0x3FFE];
	_ =	sdelay $0x1  }
0x8a: {  	s1 =	srdreg.scid  }
0x8b: {  	s0 =	sand.u32 $0x1, s1  }
0x8c: {  	s17 =	sshll.u32 s0, $0xA;
	s2 =	sadd.s32 s3, s2  }
0x8d: {  	s2 =	sadd.s32 s2, s17  }
0x8e: {  	[smem:$0x3FC0] =	sst s2  }
0x8f: {  	_ = 	snop  }
0x90: {  	s2 =	sld [smem:$0x3FC9]  }
0x91: {  	s18 =	sld [smem:$0x3FD0];
	(tm) =	ssettm $0x1  }
0x92: {  	s4 =	sld [smem:$0x3FFB];
	_ =	sdelay $0x3  }
0x93: {  	_ =	strace s4  }
0x94: {  	s4 =	sld [smem:$0x3FFC];
	_ =	sdelay $0x3  }
0x95: {  	_ =	strace s4  }
0x96: {  	s4 =	sld [smem:$0x3FFD];
	_ =	sdelay $0x3  }
0x97: {  	_ =	strace s4  }
0x98: {  	_ =	strace $0x8FFFFFFF  }
0x99: {  	s19 =	sld [smem:$0x3FDB];
	_ =	sdelay $0x1  }
0x9a: {  	s5 =	simm.s32 $_scs_section_size  }
0x9b: {  	s6 =	simm.s32 $_size__tile_overlayer_lowered;
	s7 =	simm.s32 $_tile_overlayer_lowered  }
0x9c: {  	s22 =	simm.s32 $0x1BFF;
	s21 =	sshll.u32 s7, $0x1;
	s4 =	sadd.s32 s5, s19  }
0x9d: {  	s8 =	simm.s32 $0x0;
	s20 =	sshll.u32 s6, $0x1;
	s6 =	sadd.s32 s21, s4  }
0x9e: {  	[timem:s8], [sflag:s22] =	dma.local [hbm:s6], s20  }
0x9f: {  	_ =	swait.ge [sflag:s22], s20  }
0xa0: {  	s5 =	ssub.s32 $0x0, s20;
	[sflag:s22] =	ssyncset.done $0x0  }
0xa1: {  	[sflag:s22] =	ssyncadd.s32 s5;
	_ =	sdelay $0x1  }
0xa2: {  	s23 =	simm.s32 $0x1B8B  }
0xa3: {  	_ =	swait.ge [sflag:s23], $0x1  }
0xa4: {  	[sflag:s23] =	ssyncset.done $0x0  }
0xa5: {  	s25 =	simm.s32 $0x1B8E;
	s24 =	sld [smem:$0x3FFE];
	[sflag:s23] =	ssyncadd.s32 $0xFFFFFFFF  }
0xa6: {  	s26 =	simm.s32 $execute0_lowered;
	[smem:$0x3FD2] =	sst s25  }
0xa7: {  	s6 =	sshll.u32 s26, $0x1;
	_ =	strace $0x80000046;
	[dreg:$0x1] =	wrdreg $0xFFFFFFFF  }
0xa8: {  	s28 =	simm.s32 $_size_execute0_lowered;
	s4 =	sadd.s32 s4, s6;
	[dreg:$0x0] =	wrdreg $0x0  }
0xa9: {  	s6 =	sshll.u32 s28, $0x1;
	[dreg:$0x2] =	wrdreg s4  }
0xaa: {  	[dreg:$0x3] =	wrdreg s6  }
0xab: {  	[dreg:$0x4] =	wrdreg $0xC0  }
0xac: {  	_ =	task [dreg:s8], $0x5FFFF  }
0xad: {  	[dreg:$0x1] =	wrdreg $0xFFFFFFFF  }
0xae: {  	[dreg:$0x0] =	wrdreg $0x60  }
0xaf: {  	[dreg:$0x2] =	wrdreg s2  }
0xb0: {  	[dreg:$0x3] =	wrdreg s24  }
0xb1: {  	[dreg:$0x4] =	wrdreg s18  }
0xb2: {  	[dreg:$0x5] =	wrdreg $0x82800  }
0xb3: {  	[dreg:$0x6] =	wrdreg $0x1C2800  }
0xb4: {  	[dreg:$0x7] =	wrdreg $0x9  }
0xb5: {  	_ =	task.clear_ibuf [dreg:s8], $0x8FFFF;
	_ =	strace $0x90000046  }
0xb6: {  	s29 =	simm.s32 $0x9;
	_ =	strace $0x80000048  }
0xb7: {  	_ =	swait.ge [sflag:s29], $0x1  }
0xb8: {  	[sflag:s29] =	ssyncadd.s32 $0xFFFFFFFF  }
0xb9: {  	_ =	strace $0x90000048  }
0xba: {  	_ =	sfence  }
0xbb: {  	s30 =	sld [smem:$0x0];
	_ =	sdelay $0x2  }
0xbc: {  	s31 =	sshll.u32 s1, $0xD;
	s1 =	sshrl.u32 s1, $0x2  }
0xbd: {  	s3 =	sand.u32 $0x4000, s31;
	s1 =	sadd.s32 s1, s30  }
0xbe: {  	s0 =	sor.u32 s3, s0;
	s1 =	sshll.u32 s1, $0x11  }
0xbf: {  	s0 =	sor.u32 s1, s0  }
0xc0: {  	s0 =	sadd.s32 $0x8F2B, s0  }
0xc1: {  	[sflag:s0] =	ssyncadd.remote.s32 $0x1  }
0xc2: {  	_ =	sfence.sel $0xFFFF  }
0xc3: {  	[dreg:$0x0] =	wrdreg $0xFFFFFFFF;
	(pc) =	sbr.abs _section_cstart, $3  }
0xc4: {  	[dreg:$0x1] =	wrdreg $0xFFFFFFFF  }
0xc5: {  	_ =	task.clear_ibuf [dreg:s8], $0x2FFFF;
	_ =	strace $0x9FFFFFFF  }
0xc6: {  	(tm) =	ssettm $0x7FFFFFFF  }
0xc7: {  	_ =	shalt  }
tec
execute0_lowered:
.L_overlay_start_1:
0x0: {  	(tag) =	ssettag $0x1  }
0x1: {  	s1 =	rddreg [dreg:$0x0]  }
0x2: {  	s0 =	rddreg [dreg:$0x1]  }
0x3: {  	s3 =	rddreg [dreg:$0x2]  }
0x4: {  	s4 =	rddreg [dreg:$0x3]  }
0x5: {  	s5 =	rddreg [dreg:$0x4];
	s16 =	stileid.u32  }
0x6: {  	s6 =	simm.s32 $0x0;
	s7 =	srdreg.scid;
	s28 =	simm.s32 $0x4180  }
0x7: {  	s29 =	simm.s32 $0x5;
	s30 =	simm.s32 $0x8200;
	s2 =	smul.u32 $0x14000, s16  }
0x8: {  	s31 =	simm.s32 $0x6;
	[smem:$0x7FF] =	sst s6;
	s8 =	smul.u32 $0x280, s16  }
0x9: {  	s9 =	sand.u32 $0x1, s7;
	s7 =	sadd.s32 $0x1A00, s0;
	s23 =	sshll.u32 s16, $0x1  }
0xa: {  	s25 =	sshll.u32 s16, $0x6;
	_ =	strace $0x80000047;
	s10 =	smul.u32 $0x140000, s9  }
0xb: {  	s13 =	smul.u32 $0x2800, s9;
	s14 =	ssub.s32 $0x2, s9;
	s24 =	sor.u32 s9, s23  }
0xc: {  	s11 =	sshrl.u32 s2, $0x3;
	s12 =	sshrl.u32 s8, $0x3;
	s22 =	sshrl.u32 s14, $0x1  }
0xd: {  	s18 =	ssub.s32 $0x9C3, s24;
	s19 =	sshll.u32 s24, $0x4;
	s24 =	sshll.u32 s16, $0x8  }
0xe: {  	s11 =	sadd.s32 s11, s0;
	s12 =	sadd.s32 s12, s0;
	s10 =	sadd.s32 s2, s10  }
0xf: {  	s13 =	sadd.s32 s8, s13;
	s14 =	ssub.s32 s14, s22;
	s2 =	sadd.s32 s2, s4  }
0x10: {  	s20 =	sadd.s32 s7, s19;
	s10 =	sshrl.u32 s10, $0x3;
	s21 =	sshrl.u32 s13, $0x3  }
0x11: {  	[dreg:$0x6] =	wrdreg s2;
	s26 =	sadd.s32 $0xBE00, s11;
	s11 =	sadd.s32 s8, s5  }
0x12: {  	s17 =	sadd.s32 $0xB800, s12;
	s13 =	sshrl.u32 s18, $0x5;
	[dreg:$0xa] =	wrdreg s20  }
0x13: {  	s8 =	sadd.s32 s3, s19;
	s20 =	smax.u32 s14, $0x1;
	[dreg:$0x7] =	wrdreg s26  }
0x14: {  	s15 =	sadd.s32 s10, s0;
	s0 =	sadd.s32 s21, s0;
	[dreg:$0x8] =	wrdreg s11  }
0x15: {  	s10 =	sor.u32 $0x1C07, s25;
	[dreg:$0x9] =	wrdreg s17;
	s21 =	sor.u32 $0x200, s19  }
0x16: {  	[dreg:$0xb] =	wrdreg s8;
	s25 =	sshll.u32 s9, $0x7;
	s26 =	sadd.s32 $0x2, s13  }
0x17: {  	s8 =	simm.s32 $0x0;
	s22 =	sadd.s32 s7, s21;
	s2 =	sadd.s32 s3, s21  }
.Ltmp0:
0x18: {  	s23 =	sadd.s32 $0x34800, s15;
	[dreg:$0xc] =	wrdreg s22;
	(pc) =	sbr.rel .LBB2_1-.Ltmp0, $4  }
0x19: {  	s19 =	sadd.s32 $0x33E00, s0;
	s21 =	sand.u32 $0x5E, s26;
	[dreg:$0xd] =	wrdreg s2  }
0x1a: {  	s0 =	simm.s32 $0x4;
	s26 =	simm.s32 $0x1;
	[dreg:$0xe] =	wrdreg s23  }
0x1b: {  	s2 =	sor.u32 s25, s24;
	s23 =	simm.s32 $0x7;
	s24 =	simm.s32 $0x80  }
0x1c: {  	v0 =	vimm.f32 $1.000000000e+00;
	s25 =	simm.s32 $0x100;
	s12 =	sor.u32 $0x2000, s2;
	s2 =	simm.s32 $0x4200  }
.LBB2_9:
0x1d: {  	[bflag:$0x0] =	sbarrier.arrive $0xFFFF  }
0x1e: {  	s14 =	rddreg [dreg:$0xe]  }
0x1f: {  	[hbm:s14], [sflag:s10] =	dma.local [spmem:s9], $0x2800  }
0x20: {  	s8 =	sadd.s32 $0x1, s8;
	_ =	swait.ge [sflag:s23], $0x2800  }
0x21: {  	p0 =	sne.s32 s8, s20;
	[sflag:s23] =	ssyncset.done $0x0  }
.Ltmp1:
0x22: {  	[sflag:s23] =	ssyncadd.s32 $0xFFFFD800;
	(pc) =	sbr.rel @!p0 .LBB2_10-.Ltmp1, $4  }
0x23: {  	[hbm:s19], [sflag:s10] =	dma.local [spmem:s11], $0x50  }
0x24: {  	_ =	swait.ge [sflag:s23], $0x50  }
0x25: {  	[sflag:s23] =	ssyncset.done $0x0  }
0x26: {  	[sflag:s23] =	ssyncadd.s32 $0xFFFFFFB0  }
.LBB2_1:
0x27: {  	s9 =	rddreg [dreg:$0x6]  }
0x28: {  	s11 =	rddreg [dreg:$0x7];
	s9 =	sshrl.u32 s9, $0x3  }
0x29: {  	[spmem:s9], [sflag:s10] =	dma.local [hbm:s11], $0x2800  }
0x2a: {  	_ =	swait.ge [sflag:s23], $0x2800  }
0x2b: {  	[sflag:s23] =	ssyncset.done $0x0;
	s15 =	rddreg [dreg:$0x8]  }
0x2c: {  	s14 =	rddreg [dreg:$0x9];
	[sflag:s23] =	ssyncadd.s32 $0xFFFFD800;
	s11 =	sshrl.u32 s15, $0x3  }
0x2d: {  	[spmem:s11], [sflag:s10] =	dma.local [hbm:s14], $0x50  }
0x2e: {  	_ =	swait.ge [sflag:s23], $0x50  }
0x2f: {  	[sflag:s23] =	ssyncset.done $0x0  }
0x30: {  	[sflag:s23] =	ssyncadd.s32 $0xFFFFFFB0  }
0x31: {  	[tilespmem:$0x8200] =	vst v0  }
0x32: {  	[tilespmem:$0x8210] =	vst v0  }
0x33: {  	[tilespmem:$0x8220] =	vst v0  }
0x34: {  	[tilespmem:$0x8230] =	vst v0  }
0x35: {  	[tilespmem:$0x8240] =	vst v0  }
0x36: {  	[tilespmem:$0x8250] =	vst v0  }
0x37: {  	[tilespmem:$0x8260] =	vst v0  }
0x38: {  	[tilespmem:$0x8270] =	vst v0  }
0x39: {  	[bflag:$0x0] =	sbarrier.arrive $0xFFFF  }
0x3a: {  	s16 =	rddreg [dreg:$0xa]  }
0x3b: {  	[tilespmem:s6], [sflag:$0x7] =	stream.linear.gather [hbm4b:s16+s6], $0x80, $0x38;
	[tilespmem:$0x1C500] =	vst v63  }
0x3c: {  	_ =	swait.ge [sflag:s23], $0x80  }
0x3d: {  	[sflag:s23] =	ssyncset.done $0x0  }
0x3e: {  	s17 =	rddreg [dreg:$0xb];
	[sflag:s23] =	ssyncadd.s32 $0xFFFFFF80  }
0x3f: {  	[tilespmem:s24], [sflag:$0x7] =	stream.linear.gather [hbm4b:s17+s6], $0x80, $0x38;
	[tilespmem:$0x1C500] =	vst v63  }
0x40: {  	_ =	swait.ge [sflag:s23], $0x80  }
0x41: {  	[sflag:s23] =	ssyncset.done $0x0  }
0x42: {  	[sflag:s23] =	ssyncadd.s32 $0xFFFFFF80  }
0x43: {  	[tilespmem:s25], [sflag:$0x5] =	stream.indirect.gather [hbm4b:s1+s24], $0x80, s6, s24, $0xb8;
	[tilespmem:$0x1C500] =	vst v63  }
.Ltmp2:
0x44: {  	s15 =	simm.s32 $0x4100;
	s18 =	rddreg [dreg:$0xc];
	(pc) =	sbr.rel .LBB2_2-.Ltmp2, $4  }
0x45: {  	[tilespmem:s15], [sflag:$0x3] =	stream.linear.gather [hbm4b:s18+s6], $0x80, $0x38;
	[tilespmem:$0x1C500] =	vst v63  }
0x46: {  	s22 =	rddreg [dreg:$0xd]  }
0x47: {  	[tilespmem:s28], [sflag:$0x4] =	stream.linear.gather [hbm4b:s22+s6], $0x80, $0x38;
	[tilespmem:$0x1C500] =	vst v63  }
0x48: {  	s15 =	simm.s32 $0x0;
	s22 =	smov.u32 s12  }
.LBB2_7:
0x49: {  	s14 =	sadd.s32 $0x3, s14  }
0x4a: {  	p0 =	sgt.u32 s14, s13  }
0x4b: {  	s14 =	sadd.s32 @!p0 $0x1000, s22  }
0x4c: {  	s14 =	sshrl.u32 @!p0 s14, $0x3  }
0x4d: {  	s17 =	simm.s32 @!p0 $0x0;
	s18 =	simm.s32 @!p0 $0x4100;
	s16 =	sadd.s32 @!p0 s7, s14  }
0x4e: {  	[tilespmem:s18], [sflag:$0x3] =	stream.linear.gather @!p0 [hbm4b:s16+s17], $0x80, $0x38;
	[tilespmem:$0x1C500] =	vst v63  }
0x4f: {  	_ =	swait.ge [sflag:s0], $0x80  }
0x50: {  	[sflag:s0] =	ssyncset.done $0x0  }
0x51: {  	[sflag:s0] =	ssyncadd.s32 $0xFFFFFF80  }
0x52: {  	[spmem:s4] =	stream.indirect.scatter.add.f32 [tilespmem:s2], [sflag:$0x7], $0x80, s28, s24, $0xb8;
	[tilespmem:$0x1C500] =	vst v63  }
0x53: {  	_ =	swait.ge [sflag:s23], $0x4000  }
0x54: {  	[sflag:s23] =	ssyncset.done $0x0  }
0x55: {  	[sflag:s23] =	ssyncadd.s32 $0xFFFFC000  }
0x56: {  	[spmem:s5] =	stream.indirect.scatter.add.f32 [tilespmem:s30], [sflag:$0x7], $0x1, s28, s24, $0xb8;
	[tilespmem:$0x1C500] =	vst v63  }
0x57: {  	_ =	swait.ge [sflag:s23], $0x80  }
0x58: {  	[sflag:s23] =	ssyncset.done $0x0  }
0x59: {  	s14 =	sadd.s32 @!p0 s3, s14;
	s16 =	simm.s32 @!p0 $0x4180;
	[sflag:s23] =	ssyncadd.s32 $0xFFFFFF80  }
0x5a: {  	[tilespmem:s16], [sflag:$0x4] =	stream.linear.gather @!p0 [hbm4b:s14+s17], $0x80, $0x38;
	[tilespmem:$0x1C500] =	vst v63  }
.LBB2_8:
0x5b: {  	p0 =	sne.s32 s21, s15  }
.Ltmp3:
0x5c: {  	_ = 	snop;
	(pc) =	sbr.rel @!p0 .LBB2_9-.Ltmp3, $2  }
0x5d: {  	_ =	sdelay $0x2  }
0x5e: {  	s22 =	sadd.s32 $0x2000, s22  }
.LBB2_2:
0x5f: {  	p0 =	sge.u32 s15, s13  }
0x60: {  	s16 =	simm.s32 @!p0 $0x3  }
0x61: {  	s14 =	smov.u32 s15;
	_ =	swait.ge @!p0 [sflag:s16], $0x80  }
0x62: {  	s15 =	sadd.s32 $0x2, s15;
	s17 =	simm.s32 @!p0 $0x4100;
	[sflag:s16] =	ssyncset.done @!p0 $0x0  }
0x63: {  	s18 =	simm.s32 @!p0 $0x4200;
	[sflag:s16] =	ssyncadd.s32 @!p0 $0xFFFFFF80;
	s16 =	simm.s32 @!p0 $0x80  }
0x64: {  	[tilespmem:s18], [sflag:$0x6] =	stream.indirect.gather @!p0 [hbm4b:s1+s16], $0x80, s17, s16, $0xb8;
	[tilespmem:$0x1C500] =	vst v63  }
0x65: {  	p0 =	sgt.u32 s15, s13;
	_ =	swait.ge [sflag:s29], $0x4000  }
0x66: {  	s16 =	sshrl.u32 @!p0 s22, $0x3;
	[sflag:s29] =	ssyncset.done $0x0  }
0x67: {  	s17 =	simm.s32 @!p0 $0x0;
	s16 =	sadd.s32 @!p0 s7, s16;
	[sflag:s29] =	ssyncadd.s32 $0xFFFFC000  }
0x68: {  	[tilespmem:s17], [sflag:$0x1] =	stream.linear.gather @!p0 [hbm4b:s16+s17], $0x80, $0x38;
	[tilespmem:$0x1C500] =	vst v63  }
0x69: {  	p0 =	seq.s32 s14, $0x0  }
0x6a: {  	s16 =	simm.s32 @!p0 $0x2  }
0x6b: {  	_ =	swait.ge @!p0 [sflag:s16], $0x80  }
0x6c: {  	[sflag:s16] =	ssyncset.done @!p0 $0x0  }
0x6d: {  	[sflag:s16] =	ssyncadd.s32 @!p0 $0xFFFFFF80  }
0x6e: {  	[spmem:s4] =	stream.indirect.scatter.add.f32 [tilespmem:s25], [sflag:$0x7], $0x80, s24, s24, $0xb8;
	[tilespmem:$0x1C500] =	vst v63  }
0x6f: {  	_ =	swait.ge [sflag:s23], $0x4000  }
0x70: {  	p1 =	sle.u32 s15, s13;
	[sflag:s23] =	ssyncset.done $0x0  }
.Ltmp4:
0x71: {  	[sflag:s23] =	ssyncadd.s32 $0xFFFFC000;
	(pc) =	sbr.rel @p1 .LBB2_5-.Ltmp4, $4  }
0x72: {  	[spmem:s5] =	stream.indirect.scatter.add.f32 [tilespmem:s30], [sflag:$0x7], $0x1, s24, s24, $0xb8;
	[tilespmem:$0x1C500] =	vst v63  }
0x73: {  	_ =	swait.ge [sflag:s23], $0x80  }
0x74: {  	[sflag:s23] =	ssyncset.done $0x0  }
0x75: {  	p0 =	slt.u32 s14, s13;
	[sflag:s23] =	ssyncadd.s32 $0xFFFFFF80  }
.Ltmp5:
0x76: {  	(pc) =	sbr.rel @!p0 .LBB2_8-.Ltmp5, $1  }
0x77: {  	_ =	sdelay $0x3  }
.Ltmp6:
0x78: {  	(pc) =	sbr.rel .LBB2_7-.Ltmp6, $4  }
0x79: {  	_ = 	snop  }
0x7a: {  	_ =	swait.ge [sflag:s31], $0x4000  }
0x7b: {  	[sflag:s31] =	ssyncset.done $0x0  }
0x7c: {  	[sflag:s31] =	ssyncadd.s32 $0xFFFFC000  }
.LBB2_5:
.Ltmp7:
0x7d: {  	(pc) =	sbr.rel @!p0 .LBB2_8-.Ltmp7, $4  }
0x7e: {  	_ = 	snop  }
0x7f: {  	s16 =	sshrl.u32 s22, $0x3  }
0x80: {  	s16 =	sadd.s32 s3, s16  }
0x81: {  	[tilespmem:s24], [sflag:$0x2] =	stream.linear.gather [hbm4b:s16+s6], $0x80, $0x38;
	[tilespmem:$0x1C500] =	vst v63  }
0x82: {  	_ =	swait.ge [sflag:s31], $0x4000  }
0x83: {  	[sflag:s31] =	ssyncset.done $0x0  }
.Ltmp8:
0x84: {  	[sflag:s31] =	ssyncadd.s32 $0xFFFFC000;
	(pc) =	sbr.rel .LBB2_7-.Ltmp8, $4  }
0x85: {  	_ =	swait.ge [sflag:s26], $0x80  }
0x86: {  	[sflag:s26] =	ssyncset.done $0x0  }
0x87: {  	[sflag:s26] =	ssyncadd.s32 $0xFFFFFF80  }
0x88: {  	[tilespmem:s25], [sflag:$0x5] =	stream.indirect.gather [hbm4b:s1+s24], $0x80, s6, s24, $0xb8;
	[tilespmem:$0x1C500] =	vst v63  }
.LBB2_10:
0x89: {  	_ =	sfence.sel $0x180000  }
0x8a: {  	[bflag:$0x0] =	sbarrier.arrive $0xFFFF  }
0x8b: {  	_ =	strace $0x90000047  }
0x8c: {  	s0 =	stileid.u32;
	[bflag:$0x2] =	sbarrier.arrive $0xFFFF  }
0x8d: {  	p0 =	sne.s32 s0, $0x0;
	s0 =	rddreg [dreg:$0x5]  }
0x8e: {  	s0 =	sadd.s32 @!p0 $0x100000, s0  }
0x8f: {  	[sflag:s0] =	ssyncadd.tile.s32 @!p0 $0x1;
	_ =	shalt  }
.Lfunc_end2:
_tile_overlayer_lowered:
.L_overlay_start_2:
0x90: {  	(tag) =	ssettag $0x2  }
0x91: {  	s0 =	rddreg [dreg:$0x0];
	s2 =	stileid.u32  }
0x92: {  	s1 =	rddreg [dreg:$0x1];
	p0 =	sne.s32 s2, $0x0  }
0x93: {  	s3 =	rddreg [dreg:$0x2];
	[bflag:$0x3] =	sbarrier.arrive $0xFFFF;
	s2 =	simm.s32 @!p0 $0x1C07  }
0x94: {  	[timem:s3], [sflag:s2] =	dma.local @!p0 [hbm:s0], s1  }
0x95: {  	s0 =	simm.s32 @!p0 $0x7  }
0x96: {  	_ =	swait.ge @!p0 [sflag:s0], s1  }
0x97: {  	s1 =	ssub.s32 @!p0 $0x0, s1;
	[sflag:s0] =	ssyncset.done @!p0 $0x0  }
0x98: {  	[sflag:s0] =	ssyncadd.s32 @!p0 s1  }
0x99: {  	[bflag:$0x3] =	sbarrier.arrive $0xFFFF  }
0x9a: {  	_ =	shalt  }

// kernel: kernel.9.cloned.1.call-start
scs
__scs_entry_jumppad:
0x0: {  	(pc) =	sbr.rel $0x88, $3  }
0x1: {  	(tag) =	ssettag $0x0;
	lr =	simm.s32 $0x1  }
0x2: {  	[smem:$0x3F99] =	sst lr;
	_ =	strace $0xD0000000  }
0x3: {  	_ = 	snop  }
0x4: {  	_ = 	snop  }
0x5: {  	_ = 	snop  }
0x6: {  	_ = 	snop  }
0x7: {  	_ = 	snop  }
__scs_overlays_trampoline_lowered:
0x8: {  	[smem:$0x3FA8] =	sst s0  }
0x9: {  	[smem:$0x3FA9] =	sst s1  }
0xa: {  	[smem:$0x3FAA] =	sst s2  }
0xb: {  	[smem:$0x3FAB] =	sst s3  }
0xc: {  	[smem:$0x3FAC] =	sst s4  }
0xd: {  	[smem:$0x3FAD] =	sst s5  }
0xe: {  	[smem:$0x3FAE] =	sst s6  }
0xf: {  	[smem:$0x3FAF] =	sst s7  }
0x10: {  	[smem:$0x3FB0] =	sst s8  }
0x11: {  	[smem:$0x3FB1] =	sst s9;
	s0 =	simm.s32 @!p0 $0x0  }
0x12: {  	s1 =	sld [smem:$0x3F97];
	s0 =	simm.s32 @p0 $0x1  }
0x13: {  	[smem:$0x3FB2] =	sst s0;
	s0 =	simm.s32 @!p1 $0x0  }
0x14: {  	s2 =	sld [smem:$0x3F96];
	s0 =	simm.s32 @p1 $0x1  }
0x15: {  	[smem:$0x3FB3] =	sst s0;
	s0 =	simm.s32 @!p2 $0x0  }
0x16: {  	s3 =	sld [smem:$0x3FDB];
	s0 =	simm.s32 @p2 $0x1  }
0x17: {  	s4 =	simm.s32 $0x1BF5;
	[smem:$0x3FB5] =	sst s0  }
0x18: {  	s0 =	sld [smem:$0x3F98];
	_ =	swait.ge [sflag:s4], $0x0  }
0x19: {  	s7 =	sld [smem:$0x3F99]  }
0x1a: {  	s8 =	sadd.s32 $0xFFFFE003, lr  }
0x1b: {  	s9 =	sadd.s32 $0xFFFFFEF7, lr;
	s5 =	simm.s32 $0xFFFFFFFF;
	p2 =	slt.u32 s8, $0xFFFFF086  }
0x1c: {  	p1 =	slt.u32 s9, $0xF7A;
	s5 =	simm.s32 @!p2 $0x0  }
0x1d: {  	s5 =	simm.s32 @p1 $0x1;
	p0 =	seq.s32 s7, s2  }
0x1e: {  	s7 =	smul.u32 @!p0 $0xF7A, s2;
	p2 =	seq.s32 @!p0 s5, $0x0  }
0x1f: {  	s9 =	smul.u32 $0xF7A, s1;
	s8 =	simm.s32 @!p0 $0x1BF5;
	p2 =	por !p2, p0  }
0x20: {  	[sflag:s8] =	ssyncset.s32 @!p0 $0xFFFFF086;
	s6 =	sadd.s32 @!p0 s3, s7;
	s7 =	simm.s32 @!p0 $0x108  }
0x21: {  	s3 =	sadd.s32 s3, s9;
	s6 =	sadd.s32 @!p0 $0x88, s6;
	s7 =	simm.s32 @p2 $0x1082  }
0x22: {  	[simem:s7], [sflag:s8] =	dma.local @!p0 [hbm:s6], $0xF7A  }
0x23: {  	s9 =	sor.u32 $0xD0000000, s2;
	s6 =	simm.s32 $0x108;
	_ =	swait.ge @!p0 [sflag:s8], $0x0  }
0x24: {  	s3 =	sadd.s32 $0x88, s3;
	s6 =	simm.s32 @!p1 $0x1082;
	[sflag:s4] =	ssyncset.s32 $0xFFFFF086  }
0x25: {  	[simem:s6], [sflag:s4] =	dma.local [hbm:s3], $0xF7A  }
0x26: {  	[smem:$0x3F99] =	sst s1;
	(tag) =	ssettag s2;
	_ =	strace s9  }
0x27: {  	s1 =	sld [smem:$0x3FA9]  }
0x28: {  	s2 =	sld [smem:$0x3FAA]  }
0x29: {  	s4 =	sld [smem:$0x3FAC]  }
0x2a: {  	p0 =	seq.s32 s5, $0x0;
	s5 =	sld [smem:$0x3FAD]  }
0x2b: {  	s6 =	sld [smem:$0x3FAE]  }
0x2c: {  	s7 =	sld [smem:$0x3FAF]  }
0x2d: {  	s3 =	simm.s32 $0x108;
	s8 =	sld [smem:$0x3FB0]  }
0x2e: {  	s3 =	simm.s32 @!p0 $0x1082;
	s9 =	sld [smem:$0x3FB1]  }
0x2f: {  	lr =	sadd.s32 s0, s3;
	s0 =	sld [smem:$0x3FA8]  }
0x30: {  	s3 =	sld [smem:$0x3FAB]  }
0x31: {  	[smem:$0x3FB4] =	sst s10  }
0x32: {  	s10 =	sld [smem:$0x3FB2];
	_ =	sdelay $0x3  }
0x33: {  	p0 =	seq.s32 s10, $0x1;
	s10 =	sld [smem:$0x3FB4];
	_ =	sdelay $0x3  }
0x34: {  	[smem:$0x3FB4] =	sst s10  }
0x35: {  	s10 =	sld [smem:$0x3FB3];
	_ =	sdelay $0x3  }
0x36: {  	p1 =	seq.s32 s10, $0x1;
	s10 =	sld [smem:$0x3FB4];
	_ =	sdelay $0x3  }
0x37: {  	[smem:$0x3FB4] =	sst s10  }
0x38: {  	s10 =	sld [smem:$0x3FB5]  }
0x39: {  	_ = 	snop;
	(pc) =	sbr.ind lr, $3  }
0x3a: {  	_ = 	snop  }
0x3b: {  	_ = 	snop  }
0x3c: {  	p2 =	seq.s32 s10, $0x1;
	s10 =	sld [smem:$0x3FB4]  }
0x3d: {  	_ =	shalt  }
0x3e: {  	_ =	shalt  }
0x3f: {  	_ =	shalt  }
0x40: {  	_ =	shalt  }
0x41: {  	_ =	shalt  }
0x42: {  	_ =	shalt  }
0x43: {  	_ =	shalt  }
0x44: {  	_ =	shalt  }
0x45: {  	_ =	shalt  }
0x46: {  	_ =	shalt  }
0x47: {  	_ =	shalt  }
0x48: {  	_ =	shalt  }
0x49: {  	_ =	shalt  }
0x4a: {  	_ =	shalt  }
0x4b: {  	_ =	shalt  }
0x4c: {  	_ =	shalt  }
0x4d: {  	_ =	shalt  }
0x4e: {  	_ =	shalt  }
0x4f: {  	_ =	shalt  }
0x50: {  	_ =	shalt  }
0x51: {  	_ =	shalt  }
0x52: {  	_ =	shalt  }
0x53: {  	_ =	shalt  }
0x54: {  	_ =	shalt  }
0x55: {  	_ =	shalt  }
0x56: {  	_ =	shalt  }
0x57: {  	_ =	shalt  }
0x58: {  	_ =	shalt  }
0x59: {  	_ =	shalt  }
0x5a: {  	_ =	shalt  }
0x5b: {  	_ =	shalt  }
0x5c: {  	_ =	shalt  }
0x5d: {  	_ =	shalt  }
0x5e: {  	_ =	shalt  }
0x5f: {  	_ =	shalt  }
0x60: {  	_ =	shalt  }
0x61: {  	_ =	shalt  }
0x62: {  	_ =	shalt  }
0x63: {  	_ =	shalt  }
0x64: {  	_ =	shalt  }
0x65: {  	_ =	shalt  }
0x66: {  	_ =	shalt  }
0x67: {  	_ =	shalt  }
0x68: {  	_ =	shalt  }
0x69: {  	_ =	shalt  }
0x6a: {  	_ =	shalt  }
0x6b: {  	_ =	shalt  }
0x6c: {  	_ =	shalt  }
0x6d: {  	_ =	shalt  }
0x6e: {  	_ =	shalt  }
0x6f: {  	_ =	shalt  }
0x70: {  	_ =	shalt  }
0x71: {  	_ =	shalt  }
0x72: {  	_ =	shalt  }
0x73: {  	_ =	shalt  }
0x74: {  	_ =	shalt  }
0x75: {  	_ =	shalt  }
0x76: {  	_ =	shalt  }
0x77: {  	_ =	shalt  }
0x78: {  	_ =	shalt  }
0x79: {  	_ =	shalt  }
0x7a: {  	_ =	shalt  }
0x7b: {  	_ =	shalt  }
0x7c: {  	_ =	shalt  }
0x7d: {  	_ =	shalt  }
0x7e: {  	_ =	shalt  }
0x7f: {  	_ =	shalt  }
0x80: {  	_ =	shalt  }
0x81: {  	_ =	shalt  }
0x82: {  	_ =	shalt  }
0x83: {  	_ =	shalt  }
0x84: {  	_ =	shalt  }
0x85: {  	_ =	shalt  }
0x86: {  	_ =	shalt  }
0x87: {  	_ =	shalt  }
.Lfunc_end0:
.L_simem_size_0:
called_computation.1_lowered:
.L_overlay_start_0:
0x88: {  	s2 =	sld [smem:$0x3FD9]  }
0x89: {  	s3 =	sld [smem:$0x3FFE];
	_ =	sdelay $0x1  }
0x8a: {  	s1 =	srdreg.scid  }
0x8b: {  	s0 =	sand.u32 $0x1, s1  }
0x8c: {  	s17 =	sshll.u32 s0, $0xA;
	s2 =	sadd.s32 s3, s2  }
0x8d: {  	s2 =	sadd.s32 s2, s17  }
0x8e: {  	[smem:$0x3FC0] =	sst s2  }
0x8f: {  	_ = 	snop  }
0x90: {  	s2 =	sld [smem:$0x3FD0];
	(tm) =	ssettm $0x1  }
0x91: {  	s18 =	sld [smem:$0x3FFB];
	_ =	sdelay $0x3  }
0x92: {  	_ =	strace s18  }
0x93: {  	s3 =	sld [smem:$0x3FFC];
	_ =	sdelay $0x3  }
0x94: {  	_ =	strace s3  }
0x95: {  	s3 =	sld [smem:$0x3FFD];
	_ =	sdelay $0x3  }
0x96: {  	_ =	strace s3  }
0x97: {  	_ =	strace $0x8FFFFFFF  }
0x98: {  	s19 =	sld [smem:$0x3FDB];
	_ =	sdelay $0x1  }
0x99: {  	s4 =	simm.s32 $_scs_section_size  }
0x9a: {  	s5 =	simm.s32 $_size__tile_overlayer_lowered;
	s6 =	simm.s32 $_tile_overlayer_lowered  }
0x9b: {  	s22 =	simm.s32 $0x1BFF;
	s21 =	sshll.u32 s6, $0x1;
	s3 =	sadd.s32 s4, s19  }
0x9c: {  	s7 =	simm.s32 $0x0;
	s20 =	sshll.u32 s5, $0x1;
	s5 =	sadd.s32 s21, s3  }
0x9d: {  	[timem:s7], [sflag:s22] =	dma.local [hbm:s5], s20  }
0x9e: {  	_ =	swait.ge [sflag:s22], s20  }
0x9f: {  	s4 =	ssub.s32 $0x0, s20;
	[sflag:s22] =	ssyncset.done $0x0  }
0xa0: {  	[sflag:s22] =	ssyncadd.s32 s4;
	_ =	sdelay $0x1  }
0xa1: {  	s23 =	simm.s32 $0x1B8B  }
0xa2: {  	_ =	swait.ge [sflag:s23], $0x1  }
0xa3: {  	[sflag:s23] =	ssyncset.done $0x0  }
0xa4: {  	s25 =	simm.s32 $0x1B8E;
	s24 =	sld [smem:$0x3FFE];
	[sflag:s23] =	ssyncadd.s32 $0xFFFFFFFF  }
0xa5: {  	s26 =	simm.s32 $execute0_lowered;
	[smem:$0x3FD2] =	sst s25  }
0xa6: {  	s5 =	sshll.u32 s26, $0x1;
	_ =	strace $0x80000049;
	[dreg:$0x1] =	wrdreg $0xFFFFFFFF  }
0xa7: {  	s28 =	simm.s32 $_size_execute0_lowered;
	s3 =	sadd.s32 s3, s5;
	[dreg:$0x0] =	wrdreg $0x0  }
0xa8: {  	s5 =	sshll.u32 s28, $0x1;
	[dreg:$0x2] =	wrdreg s3  }
0xa9: {  	[dreg:$0x3] =	wrdreg s5  }
0xaa: {  	[dreg:$0x4] =	wrdreg $0xC0  }
0xab: {  	_ =	task [dreg:s7], $0x5FFFF  }
0xac: {  	[dreg:$0x1] =	wrdreg $0xFFFFFFFF  }
0xad: {  	[dreg:$0x0] =	wrdreg $0x60  }
0xae: {  	[dreg:$0x2] =	wrdreg s24  }
0xaf: {  	[dreg:$0x3] =	wrdreg s2  }
0xb0: {  	[dreg:$0x4] =	wrdreg $0x42000  }
0xb1: {  	[dreg:$0x5] =	wrdreg $0x9  }
0xb2: {  	_ =	task.clear_ibuf [dreg:s7], $0x6FFFF;
	_ =	strace $0x90000049  }
0xb3: {  	s29 =	simm.s32 $0x9;
	_ =	strace $0x8000004B  }
0xb4: {  	_ =	swait.ge [sflag:s29], $0x1  }
0xb5: {  	[sflag:s29] =	ssyncadd.s32 $0xFFFFFFFF  }
0xb6: {  	_ =	strace $0x9000004B  }
0xb7: {  	_ =	sfence  }
0xb8: {  	s30 =	sld [smem:$0x0];
	_ =	sdelay $0x2  }
0xb9: {  	s31 =	sshll.u32 s1, $0xD;
	s1 =	sshrl.u32 s1, $0x2  }
0xba: {  	s3 =	sand.u32 $0x4000, s31;
	s1 =	sadd.s32 s1, s30  }
0xbb: {  	s0 =	sor.u32 s3, s0;
	s1 =	sshll.u32 s1, $0x11  }
0xbc: {  	s0 =	sor.u32 s1, s0  }
0xbd: {  	s0 =	sadd.s32 $0x8F2B, s0  }
0xbe: {  	[sflag:s0] =	ssyncadd.remote.s32 $0x1  }
0xbf: {  	_ =	sfence.sel $0xFFFF  }
0xc0: {  	[dreg:$0x0] =	wrdreg $0xFFFFFFFF;
	(pc) =	sbr.abs _section_cstart, $3  }
0xc1: {  	[dreg:$0x1] =	wrdreg $0xFFFFFFFF  }
0xc2: {  	_ =	task.clear_ibuf [dreg:s7], $0x2FFFF;
	_ =	strace $0x9FFFFFFF  }
0xc3: {  	(tm) =	ssettm $0x7FFFFFFF  }
tec
execute0_lowered:
.L_overlay_start_1:
0x0: {  	(tag) =	ssettag $0x1  }
0x1: {  	s7 =	rddreg [dreg:$0x0]  }
0x2: {  	s2 =	rddreg [dreg:$0x1]  }
0x3: {  	s3 =	rddreg [dreg:$0x2];
	s4 =	simm.s32 $0x0  }
0x4: {  	s0 =	stileid.u32;
	s5 =	srdreg.scid;
	s20 =	simm.s32 $0x80  }
0x5: {  	s21 =	simm.s32 $0x100;
	s28 =	simm.s32 $0x0;
	[smem:$0x7FF] =	sst s4  }
0x6: {  	s8 =	smul.u32 $0xA000, s0;
	s15 =	sand.u32 $0x1, s5;
	s5 =	sadd.s32 $0xBE00, s7  }
0x7: {  	s6 =	sadd.s32 $0x1A00, s7;
	s13 =	sshll.u32 s0, $0x1;
	s25 =	sshll.u32 s0, $0x6  }
0x8: {  	s17 =	sshll.u32 s0, $0x8;
	_ =	strace $0x8000004A;
	s9 =	smul.u32 $0xA0000, s15  }
0x9: {  	s11 =	ssub.s32 $0x2, s15;
	s24 =	sor.u32 s15, s13;
	s19 =	sshll.u32 s15, $0x7  }
0xa: {  	s10 =	sshrl.u32 s8, $0x3;
	s12 =	sshrl.u32 s11, $0x1;
	s18 =	sadd.s32 s8, s3  }
0xb: {  	s26 =	ssub.s32 $0x9C3, s24;
	s29 =	sshll.u32 s24, $0x4;
	s17 =	sor.u32 s19, s17  }
0xc: {  	s19 =	simm.s32 $0x7;
	s24 =	simm.s32 $0x5;
	s10 =	sadd.s32 s10, s7  }
0xd: {  	s9 =	sadd.s32 s8, s9;
	s16 =	ssub.s32 s11, s12;
	s8 =	sor.u32 $0x1C07, s25  }
0xe: {  	s30 =	sor.u32 $0x200, s29;
	s11 =	sadd.s32 s2, s29;
	s17 =	sor.u32 $0x2000, s17  }
.Ltmp0:
0xf: {  	s18 =	sshrl.u32 s18, $0x3;
	s25 =	simm.s32 $0x6;
	(pc) =	sbr.rel .LBB2_1-.Ltmp0, $4  }
0x10: {  	s9 =	sshrl.u32 s9, $0x3;
	s12 =	sadd.s32 s6, s30;
	s13 =	sadd.s32 s2, s30  }
0x11: {  	s15 =	smax.u32 s16, $0x1;
	s14 =	sadd.s32 s9, s7;
	s9 =	sshrl.u32 s26, $0x5  }
0x12: {  	s7 =	sadd.s32 $0x1FE00, s10;
	s10 =	sadd.s32 s6, s29;
	s31 =	sadd.s32 $0x2, s9  }
0x13: {  	s26 =	simm.s32 $0x1;
	s14 =	sadd.s32 $0x33E00, s14;
	s16 =	sand.u32 $0x5E, s31  }
.LBB2_9:
0x14: {  	s28 =	sadd.s32 $0x1, s28  }
0x15: {  	p0 =	sne.s32 s28, s15  }
.Ltmp1:
0x16: {  	[bflag:$0x0] =	sbarrier.arrive $0xFFFF;
	(pc) =	sbr.rel @!p0 .LBB2_10-.Ltmp1, $4  }
0x17: {  	[hbm:s14], [sflag:s8] =	dma.local [spmem:s18], $0x1400  }
0x18: {  	_ =	swait.ge [sflag:s19], $0x1400  }
0x19: {  	[sflag:s19] =	ssyncset.done $0x0  }
0x1a: {  	[sflag:s19] =	ssyncadd.s32 $0xFFFFEC00  }
.LBB2_1:
0x1b: {  	[spmem:s18], [sflag:s8] =	dma.local [hbm:s7], $0x1400  }
0x1c: {  	_ =	swait.ge [sflag:s19], $0x1400  }
0x1d: {  	[sflag:s19] =	ssyncset.done $0x0  }
0x1e: {  	[sflag:s19] =	ssyncadd.s32 $0xFFFFEC00  }
0x1f: {  	[bflag:$0x0] =	sbarrier.arrive $0xFFFF  }
0x20: {  	[tilespmem:s4], [sflag:$0x7] =	stream.linear.gather [hbm4b:s10+s4], $0x80, $0x38;
	[tilespmem:$0xE200] =	vst v63  }
0x21: {  	_ =	swait.ge [sflag:s19], $0x80  }
0x22: {  	[sflag:s19] =	ssyncset.done $0x0  }
0x23: {  	[sflag:s19] =	ssyncadd.s32 $0xFFFFFF80  }
0x24: {  	[tilespmem:s20], [sflag:$0x7] =	stream.linear.gather [hbm4b:s11+s4], $0x80, $0x38;
	[tilespmem:$0xE200] =	vst v63  }
0x25: {  	_ =	swait.ge [sflag:s19], $0x80  }
0x26: {  	[sflag:s19] =	ssyncset.done $0x0  }
0x27: {  	[sflag:s19] =	ssyncadd.s32 $0xFFFFFF80  }
0x28: {  	[tilespmem:s21], [sflag:$0x5] =	stream.indirect.gather [hbm4b:s5+s20], $0x40, s4, s20, $0xb8;
	[tilespmem:$0xE200] =	vst v63  }
.Ltmp2:
0x29: {  	_ = 	snop;
	(pc) =	sbr.rel .LBB2_2-.Ltmp2, $4  }
0x2a: {  	s0 =	simm.s32 $0x2100  }
0x2b: {  	[tilespmem:s0], [sflag:$0x3] =	stream.linear.gather [hbm4b:s12+s4], $0x80, $0x38;
	[tilespmem:$0xE200] =	vst v63  }
0x2c: {  	s31 =	simm.s32 $0x2180;
	s29 =	smov.u32 s17;
	s30 =	simm.s32 $0x0  }
0x2d: {  	[tilespmem:s31], [sflag:$0x4] =	stream.linear.gather [hbm4b:s13+s4], $0x80, $0x38;
	[tilespmem:$0xE200] =	vst v63  }
.LBB2_7:
0x2e: {  	s0 =	sadd.s32 $0x3, s31  }
0x2f: {  	p0 =	sgt.u32 s0, s9  }
0x30: {  	s0 =	simm.s32 @p0 $0x4  }
0x31: {  	_ =	swait.ge @p0 [sflag:s0], $0x80  }
0x32: {  	s1 =	simm.s32 @p0 $0x2180;
	[sflag:s0] =	ssyncset.done @p0 $0x0  }
0x33: {  	s22 =	simm.s32 @p0 $0x2200;
	[sflag:s0] =	ssyncadd.s32 @p0 $0xFFFFFF80;
	s0 =	simm.s32 @p0 $0x80  }
0x34: {  	[spmem:s3] =	stream.indirect.scatter.add.f32 @p0 [tilespmem:s22], [sflag:$0x7], $0x40, s1, s0, $0xb8;
	[tilespmem:$0xE200] =	vst v63  }
0x35: {  	s0 =	simm.s32 @p0 $0x7  }
0x36: {  	_ =	swait.ge @p0 [sflag:s0], $0x2000  }
0x37: {  	s1 =	sadd.s32 @!p0 $0x1000, s29;
	[sflag:s0] =	ssyncset.done @p0 $0x0  }
0x38: {  	[sflag:s0] =	ssyncadd.s32 @p0 $0xFFFFE000;
	s0 =	sshrl.u32 @!p0 s1, $0x3  }
0x39: {  	s31 =	simm.s32 @!p0 $0x2100;
	s22 =	simm.s32 @!p0 $0x0;
	s1 =	sadd.s32 @!p0 s6, s0  }
0x3a: {  	[tilespmem:s31], [sflag:$0x3] =	stream.linear.gather @!p0 [hbm4b:s1+s22], $0x80, $0x38;
	[tilespmem:$0xE200] =	vst v63  }
0x3b: {  	s1 =	simm.s32 @!p0 $0x4  }
0x3c: {  	_ =	swait.ge @!p0 [sflag:s1], $0x80  }
0x3d: {  	s23 =	simm.s32 @!p0 $0x2200;
	[sflag:s1] =	ssyncset.done @!p0 $0x0  }
0x3e: {  	s31 =	simm.s32 @!p0 $0x2180;
	[sflag:s1] =	ssyncadd.s32 @!p0 $0xFFFFFF80;
	s1 =	simm.s32 @!p0 $0x80  }
0x3f: {  	[spmem:s3] =	stream.indirect.scatter.add.f32 @!p0 [tilespmem:s23], [sflag:$0x7], $0x40, s31, s1, $0xb8;
	[tilespmem:$0xE200] =	vst v63  }
0x40: {  	s1 =	simm.s32 @!p0 $0x7  }
0x41: {  	_ =	swait.ge @!p0 [sflag:s1], $0x2000  }
0x42: {  	[sflag:s1] =	ssyncset.done @!p0 $0x0  }
0x43: {  	s0 =	sadd.s32 @!p0 s2, s0;
	[sflag:s1] =	ssyncadd.s32 @!p0 $0xFFFFE000  }
0x44: {  	[tilespmem:s31], [sflag:$0x4] =	stream.linear.gather @!p0 [hbm4b:s0+s22], $0x80, $0x38;
	[tilespmem:$0xE200] =	vst v63  }
.LBB2_8:
0x45: {  	p0 =	sne.s32 s16, s30  }
.Ltmp3:
0x46: {  	_ = 	snop;
	(pc) =	sbr.rel @!p0 .LBB2_9-.Ltmp3, $2  }
0x47: {  	_ =	sdelay $0x2  }
0x48: {  	s29 =	sadd.s32 $0x2000, s29  }
.LBB2_2:
0x49: {  	p0 =	sge.u32 s30, s9  }
0x4a: {  	s0 =	simm.s32 @!p0 $0x3  }
0x4b: {  	s31 =	smov.u32 s30;
	_ =	swait.ge @!p0 [sflag:s0], $0x80  }
0x4c: {  	s30 =	sadd.s32 $0x2, s30;
	s1 =	simm.s32 @!p0 $0x2100;
	[sflag:s0] =	ssyncset.done @!p0 $0x0  }
0x4d: {  	s22 =	simm.s32 @!p0 $0x2200;
	[sflag:s0] =	ssyncadd.s32 @!p0 $0xFFFFFF80;
	s0 =	simm.s32 @!p0 $0x80  }
0x4e: {  	[tilespmem:s22], [sflag:$0x6] =	stream.indirect.gather @!p0 [hbm4b:s5+s0], $0x40, s1, s0, $0xb8;
	[tilespmem:$0xE200] =	vst v63  }
0x4f: {  	p0 =	sgt.u32 s30, s9;
	_ =	swait.ge [sflag:s24], $0x2000  }
0x50: {  	s0 =	sshrl.u32 @!p0 s29, $0x3;
	[sflag:s24] =	ssyncset.done $0x0  }
0x51: {  	s1 =	simm.s32 @!p0 $0x0;
	s0 =	sadd.s32 @!p0 s6, s0;
	[sflag:s24] =	ssyncadd.s32 $0xFFFFE000  }
0x52: {  	[tilespmem:s1], [sflag:$0x1] =	stream.linear.gather @!p0 [hbm4b:s0+s1], $0x80, $0x38;
	[tilespmem:$0xE200] =	vst v63  }
0x53: {  	p0 =	seq.s32 s31, $0x0  }
0x54: {  	s0 =	simm.s32 @!p0 $0x2  }
0x55: {  	_ =	swait.ge @!p0 [sflag:s0], $0x80  }
0x56: {  	p1 =	sle.u32 s30, s9;
	[sflag:s0] =	ssyncset.done @!p0 $0x0  }
.Ltmp4:
0x57: {  	[sflag:s0] =	ssyncadd.s32 @!p0 $0xFFFFFF80;
	(pc) =	sbr.rel @p1 .LBB2_5-.Ltmp4, $4  }
0x58: {  	[spmem:s3] =	stream.indirect.scatter.add.f32 [tilespmem:s21], [sflag:$0x7], $0x40, s20, s20, $0xb8;
	[tilespmem:$0xE200] =	vst v63  }
0x59: {  	_ =	swait.ge [sflag:s19], $0x2000  }
0x5a: {  	[sflag:s19] =	ssyncset.done $0x0  }
0x5b: {  	p0 =	slt.u32 s31, s9;
	[sflag:s19] =	ssyncadd.s32 $0xFFFFE000  }
.Ltmp5:
0x5c: {  	(pc) =	sbr.rel @!p0 .LBB2_8-.Ltmp5, $1  }
0x5d: {  	_ =	sdelay $0x3  }
.Ltmp6:
0x5e: {  	(pc) =	sbr.rel .LBB2_7-.Ltmp6, $4  }
0x5f: {  	_ = 	snop  }
0x60: {  	_ =	swait.ge [sflag:s25], $0x2000  }
0x61: {  	[sflag:s25] =	ssyncset.done $0x0  }
0x62: {  	[sflag:s25] =	ssyncadd.s32 $0xFFFFE000  }
.LBB2_5:
.Ltmp7:
0x63: {  	(pc) =	sbr.rel @!p0 .LBB2_8-.Ltmp7, $4  }
0x64: {  	_ = 	snop  }
0x65: {  	s0 =	sshrl.u32 s29, $0x3  }
0x66: {  	s0 =	sadd.s32 s2, s0  }
0x67: {  	[tilespmem:s20], [sflag:$0x2] =	stream.linear.gather [hbm4b:s0+s4], $0x80, $0x38;
	[tilespmem:$0xE200] =	vst v63  }
0x68: {  	_ =	swait.ge [sflag:s25], $0x2000  }
0x69: {  	[sflag:s25] =	ssyncset.done $0x0  }
.Ltmp8:
0x6a: {  	[sflag:s25] =	ssyncadd.s32 $0xFFFFE000;
	(pc) =	sbr.rel .LBB2_7-.Ltmp8, $4  }
0x6b: {  	_ =	swait.ge [sflag:s26], $0x80  }
0x6c: {  	[sflag:s26] =	ssyncset.done $0x0  }
0x6d: {  	[sflag:s26] =	ssyncadd.s32 $0xFFFFFF80  }
0x6e: {  	[tilespmem:s21], [sflag:$0x5] =	stream.indirect.gather [hbm4b:s5+s20], $0x40, s4, s20, $0xb8;
	[tilespmem:$0xE200] =	vst v63  }
.LBB2_10:
0x6f: {  	_ =	sfence.sel $0x180000  }
0x70: {  	[bflag:$0x0] =	sbarrier.arrive $0xFFFF  }
0x71: {  	_ =	strace $0x9000004A  }
0x72: {  	s0 =	stileid.u32;
	[bflag:$0x2] =	sbarrier.arrive $0xFFFF  }
0x73: {  	p0 =	sne.s32 s0, $0x0;
	s0 =	rddreg [dreg:$0x3]  }
0x74: {  	s0 =	sadd.s32 @!p0 $0x100000, s0  }
0x75: {  	[sflag:s0] =	ssyncadd.tile.s32 @!p0 $0x1;
	_ =	shalt  }
.Lfunc_end2:
_tile_overlayer_lowered:
.L_overlay_start_2:
0x76: {  	(tag) =	ssettag $0x2  }
0x77: {  	s0 =	rddreg [dreg:$0x0];
	s2 =	stileid.u32  }
0x78: {  	s1 =	rddreg [dreg:$0x1];
	p0 =	sne.s32 s2, $0x0  }
0x79: {  	s3 =	rddreg [dreg:$0x2];
	[bflag:$0x3] =	sbarrier.arrive $0xFFFF;
	s2 =	simm.s32 @!p0 $0x1C07  }
0x7a: {  	[timem:s3], [sflag:s2] =	dma.local @!p0 [hbm:s0], s1  }
0x7b: {  	s0 =	simm.s32 @!p0 $0x7  }
0x7c: {  	_ =	swait.ge @!p0 [sflag:s0], s1  }
0x7d: {  	s1 =	ssub.s32 @!p0 $0x0, s1;
	[sflag:s0] =	ssyncset.done @!p0 $0x0  }
0x7e: {  	[sflag:s0] =	ssyncadd.s32 @!p0 s1  }
0x7f: {  	[bflag:$0x3] =	sbarrier.arrive $0xFFFF  }
0x80: {  	_ =	shalt  }

</sc_bundles>
